<compile_context>
chip_gen: v7x
topology: tpu7x:2x2x1
jax: 0.10.2.dev20260603
libtpu: 0.0.44.dev20260713+nightly
codegen_flags: <defaults>
</compile_context>

<pallas_src>
import functools

import jax
import jax.numpy as jnp
from jax import lax
from jax.experimental import pallas as pl
from jax.experimental.pallas import tpu as pltpu
from jax.experimental.pallas import tpu_sc as plsc

NC = 2
NS = 16
NW = NC * NS

D_MODEL = 2048
CHUNK = 8
NBUF = 4


def _embed_body(ids_hbm, table_hbm, mask_hbm, out_hbm, mask_out_hbm,
                posids_hbm, cachepos_hbm, idx_v, rows_v, aux_v, *sems,
                n_chunks, b_per_w):
  gsems = sems[:NBUF]
  wsems = sems[NBUF:]
  wid = lax.axis_index("s") * NC + lax.axis_index("c")
  wpr = ids_hbm.shape[1] // b_per_w
  row = wid // wpr
  col = (wid % wpr) * b_per_w
  pltpu.sync_copy(ids_hbm.at[row, pl.ds(col, b_per_w)], idx_v)

  for b in range(2):
    pltpu.async_copy(table_hbm.at[idx_v.at[pl.ds(b * CHUNK, CHUNK)]], rows_v.at[b], gsems[b])

  pltpu.sync_copy(mask_hbm.at[row, pl.ds(col, b_per_w)], aux_v)
  pltpu.sync_copy(aux_v, mask_out_hbm.at[row, pl.ds(col, b_per_w)])

  @pl.when(row == 0)
  def _():
    @pl.loop(0, b_per_w // 16)
    def _(i):
      aux_v[pl.ds(i * 16, 16)] = lax.iota(jnp.int32, 16) + (col + i * 16)
    pltpu.sync_copy(aux_v, cachepos_hbm.at[pl.ds(col, b_per_w)])
    pltpu.sync_copy(aux_v, posids_hbm.at[0, pl.ds(col, b_per_w)])

  @pl.loop(0, n_chunks, step=NBUF)
  def _(g):
    for j in range(NBUF):
      c = g + j
      bm2 = (j - 2) % NBUF
      bp2 = (j + 2) % NBUF

      @pl.when(jnp.logical_and(c >= 2, c + 2 < n_chunks))
      def _():
        pltpu.make_async_copy(
            rows_v.at[bm2],
            out_hbm.at[row, pl.ds(col + (c - 2) * CHUNK, CHUNK)],
            wsems[bm2]).wait()

      @pl.when(c + 2 < n_chunks)
      def _():
        pltpu.async_copy(table_hbm.at[idx_v.at[pl.ds((c + 2) * CHUNK, CHUNK)]], rows_v.at[bp2],
                         gsems[bp2])

      pltpu.make_async_copy(table_hbm.at[idx_v.at[pl.ds(c * CHUNK, CHUNK)]], rows_v.at[j],
                            gsems[j]).wait()
      pltpu.async_copy(rows_v.at[j],
                       out_hbm.at[row, pl.ds(col + c * CHUNK, CHUNK)], wsems[j])

  for i in range(4):
    c = n_chunks - 4 + i
    pltpu.make_async_copy(rows_v.at[c % NBUF],
                          out_hbm.at[row, pl.ds(col + c * CHUNK, CHUNK)],
                          wsems[c % NBUF]).wait()

  pltpu.sync_copy(out_hbm.at[row, pl.ds(col + b_per_w - 1, 1)],
                  rows_v.at[0, pl.ds(0, 1)])


def _sc_gather(ids, embed_table, mask):
  n_tok = ids.shape[0] * ids.shape[1]
  b_per_w = n_tok // NW
  n_chunks = b_per_w // CHUNK
  mesh = plsc.VectorSubcoreMesh(core_axis_name="c", subcore_axis_name="s")
  body = functools.partial(_embed_body, n_chunks=n_chunks, b_per_w=b_per_w)
  batch, seq = ids.shape
  k = pl.kernel(
      body,
      out_type=(
          jax.ShapeDtypeStruct((batch, seq, D_MODEL), jnp.float32),
          jax.ShapeDtypeStruct((batch, seq), jnp.int32),
          jax.ShapeDtypeStruct((1, seq), jnp.int32),
          jax.ShapeDtypeStruct((seq,), jnp.int32),
      ),
      mesh=mesh,
      scratch_types=(
          [pltpu.VMEM((b_per_w,), jnp.int32),
           pltpu.VMEM((NBUF, CHUNK, D_MODEL), jnp.float32),
           pltpu.VMEM((b_per_w,), jnp.int32)]
          + [pltpu.SemaphoreType.DMA] * (2 * NBUF)),
  )
  return k(ids, embed_table, mask)


def kernel(input_ids, attention_mask, embed_table):
  inputs_embeds, mask_out, position_ids, cache_position = _sc_gather(
      input_ids, embed_table, attention_mask)
  rsvd1 = jnp.zeros((1,), dtype=jnp.int32)
  rsvd2 = jnp.zeros((1,), dtype=jnp.int32)
  return (inputs_embeds, mask_out, position_ids, cache_position,
          rsvd1, rsvd2)

# --- scband reference (transcript-rebuilt; emitter-appended) ---
"""Pipeline reference for scband-qwen3-input-pipe-62242666053999 (READ-ONLY COPY).

The authoritative reference and input builder live on the scoring server;
editing this copy changes nothing except your own understanding.
"""

import jax, jax.numpy as jnp
import numpy as np

VOCAB = 151936
D_MODEL = 2048
BATCH = 4
SEQ = 4096
PAD_ID = 0


def setup_inputs(seed: int = 0) -> dict:
    key = jax.random.key(seed)
    k_ids, k_tab = jax.random.split(key)
    input_ids = jax.random.randint(k_ids, (BATCH, SEQ), 0, VOCAB, dtype=jnp.int32)
    attention_mask = jnp.ones((BATCH, SEQ), dtype=jnp.int32)
    embed_table = jax.random.normal(k_tab, (VOCAB, D_MODEL), dtype=jnp.float32) * 0.02
    # nn.Embedding(padding_idx=pad_id) zero-initializes the pad row
    embed_table = embed_table.at[PAD_ID].set(0.0)
    return {"input_ids": input_ids, "attention_mask": attention_mask, "embed_table": embed_table}


def reference(input_ids, attention_mask, embed_table):
    # batch tuple unpacking: tup[0]=input_ids, tup[1]=attention_mask; inputs_embeds is None
    # inputs_embeds = self.embed_tokens(input_ids)
    inputs_embeds = jnp.take(embed_table, input_ids, axis=0)
    # past_key_values is None -> past_seen = 0
    past_seen = 0
    cache_position = jnp.arange(past_seen, past_seen + inputs_embeds.shape[1], dtype=jnp.int32)
    # position_ids = cache_position.unsqueeze(0)
    position_ids = cache_position[None, :]
    rsvd1 = jnp.zeros((1,), dtype=jnp.int32)
    rsvd2 = jnp.zeros((1,), dtype=jnp.int32)
    return (inputs_embeds, attention_mask, position_ids, cache_position, rsvd1, rsvd2)

if __name__ == "__main__":
    import jax
    _d = setup_inputs()
    print(jax.jit(kernel)(*tuple(_d.values())))

</pallas_src>

<mosaic_0001>
#map = affine_map<(d0, d1) -> (0, 0)>
#map1 = affine_map<(d0, d1) -> (0, 0, 0)>
#map2 = affine_map<(d0, d1) -> (0)>
module attributes {stable_mosaic.version = 14 : i64} {
  func.func @_embed_body(%arg0: i32, %arg1: i32, %arg2: memref<4x4096xi32, #tpu.memory_space<hbm>>, %arg3: memref<151936x2048xf32, #tpu.memory_space<hbm>>, %arg4: memref<4x4096xi32, #tpu.memory_space<hbm>>, %arg5: memref<4x4096x2048xf32, #tpu.memory_space<hbm>>, %arg6: memref<4x4096xi32, #tpu.memory_space<hbm>>, %arg7: memref<1x4096xi32, #tpu.memory_space<hbm>>, %arg8: memref<4096xi32, #tpu.memory_space<hbm>>, %arg9: memref<512xi32, #tpu.memory_space<vmem>>, %arg10: memref<4x8x2048xf32, #tpu.memory_space<vmem>>, %arg11: memref<512xi32, #tpu.memory_space<vmem>>, %arg12: memref<!tpu.dma_semaphore, #tpu.memory_space<semaphore_mem>>, %arg13: memref<!tpu.dma_semaphore, #tpu.memory_space<semaphore_mem>>, %arg14: memref<!tpu.dma_semaphore, #tpu.memory_space<semaphore_mem>>, %arg15: memref<!tpu.dma_semaphore, #tpu.memory_space<semaphore_mem>>, %arg16: memref<!tpu.dma_semaphore, #tpu.memory_space<semaphore_mem>>, %arg17: memref<!tpu.dma_semaphore, #tpu.memory_space<semaphore_mem>>, %arg18: memref<!tpu.dma_semaphore, #tpu.memory_space<semaphore_mem>>, %arg19: memref<!tpu.dma_semaphore, #tpu.memory_space<semaphore_mem>>) attributes {dimension_semantics = [#tpu.dimension_semantics<core_parallel>, #tpu.dimension_semantics<subcore_parallel>], iteration_bounds = array<i64: 2, 16>, scalar_prefetch = 0 : i64, scratch_operands = 11 : i64, tpu.core_type = #tpu.core_type<sc_vector_subcore>, window_params = [{transform_indices = #map}, {transform_indices = #map}, {transform_indices = #map}, {transform_indices = #map1}, {transform_indices = #map}, {transform_indices = #map}, {transform_indices = #map2}]} {
    %mul3A = arith.constant 2 : i32
    %mul3A_0 = arith.muli %arg1, %mul3A : i32
    %add3A = arith.addi %mul3A_0, %arg0 : i32
    %jit3A = arith.constant 8 : i32
    %div3A = arith.divsi %add3A, %jit3A : i32
    %sign3A = arith.constant 0 : i32
    %sign3A_1 = arith.cmpi sgt, %add3A, %sign3A : i32
    %sign3A_2 = arith.extui %sign3A_1 : i1 to i32
    %sign3A_3 = arith.constant 0 : i32
    %sign3A_4 = arith.cmpi slt, %add3A, %sign3A_3 : i32
    %sign3A_5 = arith.extui %sign3A_4 : i1 to i32
    %sign3A_6 = arith.subi %sign3A_2, %sign3A_5 : i32
    %sign3A_7 = arith.constant 0 : i32
    %sign3A_8 = arith.cmpi sgt, %jit3A, %sign3A_7 : i32
    %sign3A_9 = arith.extui %sign3A_8 : i1 to i32
    %sign3A_10 = arith.constant 0 : i32
    %sign3A_11 = arith.cmpi slt, %jit3A, %sign3A_10 : i32
    %sign3A_12 = arith.extui %sign3A_11 : i1 to i32
    %sign3A_13 = arith.subi %sign3A_9, %sign3A_12 : i32
    %ne3A = arith.cmpi ne, %sign3A_6, %sign3A_13 : i32
    %rem3A = arith.remsi %add3A, %jit3A : i32
    %ne3A_14 = arith.constant 0 : i32
    %ne3A_15 = arith.cmpi ne, %rem3A, %ne3A_14 : i32
    %and3A = arith.andi %ne3A, %ne3A_15 : i1
    %sub3A = arith.constant 1 : i32
    %sub3A_16 = arith.subi %div3A, %sub3A : i32
    %select_n3A = arith.select %and3A, %sub3A_16, %div3A : i32
    %jit3A_17 = arith.constant 8 : i32
    %eq3A = arith.constant 0 : i32
    %eq3A_18 = arith.cmpi eq, %jit3A_17, %eq3A : i32
    %jit3A_19 = arith.constant 1 : i32
    %select_n3A_20 = arith.select %eq3A_18, %jit3A_19, %jit3A_17 : i32
    %rem3A_21 = arith.remsi %add3A, %select_n3A_20 : i32
    %ne3A_22 = arith.constant 0 : i32
    %ne3A_23 = arith.cmpi ne, %rem3A_21, %ne3A_22 : i32
    %lt3A = arith.constant 0 : i32
    %lt3A_24 = arith.cmpi slt, %rem3A_21, %lt3A : i32
    %lt3A_25 = arith.constant 0 : i32
    %lt3A_26 = arith.cmpi slt, %select_n3A_20, %lt3A_25 : i32
    %ne3A_27 = arith.xori %lt3A_24, %lt3A_26 : i1
    %and3A_28 = arith.andi %ne3A_27, %ne3A_23 : i1
    %add3A_29 = arith.addi %rem3A_21, %select_n3A_20 : i32
    %select_n3A_30 = arith.select %and3A_28, %add3A_29, %rem3A_21 : i32
    %mul3A_31 = arith.constant 512 : i32
    %mul3A_32 = arith.muli %select_n3A_30, %mul3A_31 : i32
    "tpu.region"() ({
      %run_scoped3A_130 = tpu.sem_alloc : memref<!tpu.dma_semaphore, #tpu.memory_space<semaphore_mem>>
      %dma_start3A_131 = tpu.memref_slice %arg2[%select_n3A, %mul3A_32] : memref<4x4096xi32, #tpu.memory_space<hbm>> -> memref<1x512xi32, #tpu.memory_space<hbm>>
      %dma_start3A_132 = tpu.memref_squeeze %dma_start3A_131 : memref<1x512xi32, #tpu.memory_space<hbm>> -> memref<512xi32, #tpu.memory_space<hbm>>
      %dma_start3A_133 = tpu.memref_slice %arg2[%select_n3A, %mul3A_32] : memref<4x4096xi32, #tpu.memory_space<hbm>> -> memref<1x512xi32, #tpu.memory_space<hbm>>
      %dma_start3A_134 = tpu.memref_squeeze %dma_start3A_133 : memref<1x512xi32, #tpu.memory_space<hbm>> -> memref<512xi32, #tpu.memory_space<hbm>>
      tpu.enqueue_dma source(%dma_start3A_134 : memref<512xi32, #tpu.memory_space<hbm>>) target(%arg9 : memref<512xi32, #tpu.memory_space<vmem>>) target_semaphore(%run_scoped3A_130 : memref<!tpu.dma_semaphore, #tpu.memory_space<semaphore_mem>>)
      %dma_wait3A_135 = tpu.memref_slice %arg2[%select_n3A, %mul3A_32] : memref<4x4096xi32, #tpu.memory_space<hbm>> -> memref<1x512xi32, #tpu.memory_space<hbm>>
      %dma_wait3A_136 = tpu.memref_squeeze %dma_wait3A_135 : memref<1x512xi32, #tpu.memory_space<hbm>> -> memref<512xi32, #tpu.memory_space<hbm>>
      %dma_wait3A_137 = tpu.memref_slice %arg2[%select_n3A, %mul3A_32] : memref<4x4096xi32, #tpu.memory_space<hbm>> -> memref<1x512xi32, #tpu.memory_space<hbm>>
      %dma_wait3A_138 = tpu.memref_squeeze %dma_wait3A_137 : memref<1x512xi32, #tpu.memory_space<hbm>> -> memref<512xi32, #tpu.memory_space<hbm>>
      tpu.wait_dma2 semaphore(%run_scoped3A_130 : memref<!tpu.dma_semaphore, #tpu.memory_space<semaphore_mem>>) src(%dma_wait3A_138 : memref<512xi32, #tpu.memory_space<hbm>>) dst(%arg9 : memref<512xi32, #tpu.memory_space<vmem>>)
      tpu.yield
    }) : () -> ()
    %dma_start3A = arith.constant 0 : i32
    %dma_start3A_33 = arith.constant 0 : i32
    %dma_start3A_34 = arith.constant 0 : i32
    %dma_start3A_35 = tpu.memref_slice %arg10[%dma_start3A, %dma_start3A_33, %dma_start3A_34] : memref<4x8x2048xf32, #tpu.memory_space<vmem>> -> memref<1x8x2048xf32, #tpu.memory_space<vmem>>
    %dma_start3A_36 = tpu.memref_squeeze %dma_start3A_35 : memref<1x8x2048xf32, #tpu.memory_space<vmem>> -> memref<8x2048xf32, #tpu.memory_space<vmem>>
    %dma_start3A_37 = arith.constant 0 : i32
    %dma_start3A_38 = tpu.memref_slice %arg9[%dma_start3A_37] : memref<512xi32, #tpu.memory_space<vmem>> -> memref<8xi32, #tpu.memory_space<vmem>>
    %dma_start3A_39 = arith.constant 0 : i32
    %dma_start3A_40 = arith.constant 0 : i32
    %dma_start3A_41 = tpu.memref_slice %arg3[%dma_start3A_39, %dma_start3A_40] : memref<151936x2048xf32, #tpu.memory_space<hbm>> -> memref<151936x2048xf32, #tpu.memory_space<hbm>>
    tpu.enqueue_indirect_dma source(%dma_start3A_41 : memref<151936x2048xf32, #tpu.memory_space<hbm>>) target(%dma_start3A_36 : memref<8x2048xf32, #tpu.memory_space<vmem>>) offsets(%dma_start3A_38 : memref<8xi32, #tpu.memory_space<vmem>>) semaphore(%arg12 : memref<!tpu.dma_semaphore, #tpu.memory_space<semaphore_mem>>)
    %dma_start3A_42 = arith.constant 1 : i32
    %dma_start3A_43 = arith.constant 0 : i32
    %dma_start3A_44 = arith.constant 0 : i32
    %dma_start3A_45 = tpu.memref_slice %arg10[%dma_start3A_42, %dma_start3A_43, %dma_start3A_44] : memref<4x8x2048xf32, #tpu.memory_space<vmem>> -> memref<1x8x2048xf32, #tpu.memory_space<vmem>>
    %dma_start3A_46 = tpu.memref_squeeze %dma_start3A_45 : memref<1x8x2048xf32, #tpu.memory_space<vmem>> -> memref<8x2048xf32, #tpu.memory_space<vmem>>
    %dma_start3A_47 = arith.constant 8 : i32
    %dma_start3A_48 = tpu.memref_slice %arg9[%dma_start3A_47] : memref<512xi32, #tpu.memory_space<vmem>> -> memref<8xi32, #tpu.memory_space<vmem>>
    %dma_start3A_49 = arith.constant 0 : i32
    %dma_start3A_50 = arith.constant 0 : i32
    %dma_start3A_51 = tpu.memref_slice %arg3[%dma_start3A_49, %dma_start3A_50] : memref<151936x2048xf32, #tpu.memory_space<hbm>> -> memref<151936x2048xf32, #tpu.memory_space<hbm>>
    tpu.enqueue_indirect_dma source(%dma_start3A_51 : memref<151936x2048xf32, #tpu.memory_space<hbm>>) target(%dma_start3A_46 : memref<8x2048xf32, #tpu.memory_space<vmem>>) offsets(%dma_start3A_48 : memref<8xi32, #tpu.memory_space<vmem>>) semaphore(%arg13 : memref<!tpu.dma_semaphore, #tpu.memory_space<semaphore_mem>>)
    "tpu.region"() ({
      %run_scoped3A_130 = tpu.sem_alloc : memref<!tpu.dma_semaphore, #tpu.memory_space<semaphore_mem>>
      %dma_start3A_131 = tpu.memref_slice %arg4[%select_n3A, %mul3A_32] : memref<4x4096xi32, #tpu.memory_space<hbm>> -> memref<1x512xi32, #tpu.memory_space<hbm>>
      %dma_start3A_132 = tpu.memref_squeeze %dma_start3A_131 : memref<1x512xi32, #tpu.memory_space<hbm>> -> memref<512xi32, #tpu.memory_space<hbm>>
      %dma_start3A_133 = tpu.memref_slice %arg4[%select_n3A, %mul3A_32] : memref<4x4096xi32, #tpu.memory_space<hbm>> -> memref<1x512xi32, #tpu.memory_space<hbm>>
      %dma_start3A_134 = tpu.memref_squeeze %dma_start3A_133 : memref<1x512xi32, #tpu.memory_space<hbm>> -> memref<512xi32, #tpu.memory_space<hbm>>
      tpu.enqueue_dma source(%dma_start3A_134 : memref<512xi32, #tpu.memory_space<hbm>>) target(%arg11 : memref<512xi32, #tpu.memory_space<vmem>>) target_semaphore(%run_scoped3A_130 : memref<!tpu.dma_semaphore, #tpu.memory_space<semaphore_mem>>)
      %dma_wait3A_135 = tpu.memref_slice %arg4[%select_n3A, %mul3A_32] : memref<4x4096xi32, #tpu.memory_space<hbm>> -> memref<1x512xi32, #tpu.memory_space<hbm>>
      %dma_wait3A_136 = tpu.memref_squeeze %dma_wait3A_135 : memref<1x512xi32, #tpu.memory_space<hbm>> -> memref<512xi32, #tpu.memory_space<hbm>>
      %dma_wait3A_137 = tpu.memref_slice %arg4[%select_n3A, %mul3A_32] : memref<4x4096xi32, #tpu.memory_space<hbm>> -> memref<1x512xi32, #tpu.memory_space<hbm>>
      %dma_wait3A_138 = tpu.memref_squeeze %dma_wait3A_137 : memref<1x512xi32, #tpu.memory_space<hbm>> -> memref<512xi32, #tpu.memory_space<hbm>>
      tpu.wait_dma2 semaphore(%run_scoped3A_130 : memref<!tpu.dma_semaphore, #tpu.memory_space<semaphore_mem>>) src(%dma_wait3A_138 : memref<512xi32, #tpu.memory_space<hbm>>) dst(%arg11 : memref<512xi32, #tpu.memory_space<vmem>>)
      tpu.yield
    }) : () -> ()
    "tpu.region"() ({
      %run_scoped3A_130 = tpu.sem_alloc : memref<!tpu.dma_semaphore, #tpu.memory_space<semaphore_mem>>
      %dma_start3A_131 = tpu.memref_slice %arg6[%select_n3A, %mul3A_32] : memref<4x4096xi32, #tpu.memory_space<hbm>> -> memref<1x512xi32, #tpu.memory_space<hbm>>
      %dma_start3A_132 = tpu.memref_squeeze %dma_start3A_131 : memref<1x512xi32, #tpu.memory_space<hbm>> -> memref<512xi32, #tpu.memory_space<hbm>>
      %dma_start3A_133 = tpu.memref_slice %arg6[%select_n3A, %mul3A_32] : memref<4x4096xi32, #tpu.memory_space<hbm>> -> memref<1x512xi32, #tpu.memory_space<hbm>>
      %dma_start3A_134 = tpu.memref_squeeze %dma_start3A_133 : memref<1x512xi32, #tpu.memory_space<hbm>> -> memref<512xi32, #tpu.memory_space<hbm>>
      tpu.enqueue_dma source(%arg11 : memref<512xi32, #tpu.memory_space<vmem>>) target(%dma_start3A_134 : memref<512xi32, #tpu.memory_space<hbm>>) target_semaphore(%run_scoped3A_130 : memref<!tpu.dma_semaphore, #tpu.memory_space<semaphore_mem>>)
      %dma_wait3A_135 = tpu.memref_slice %arg6[%select_n3A, %mul3A_32] : memref<4x4096xi32, #tpu.memory_space<hbm>> -> memref<1x512xi32, #tpu.memory_space<hbm>>
      %dma_wait3A_136 = tpu.memref_squeeze %dma_wait3A_135 : memref<1x512xi32, #tpu.memory_space<hbm>> -> memref<512xi32, #tpu.memory_space<hbm>>
      %dma_wait3A_137 = tpu.memref_slice %arg6[%select_n3A, %mul3A_32] : memref<4x4096xi32, #tpu.memory_space<hbm>> -> memref<1x512xi32, #tpu.memory_space<hbm>>
      %dma_wait3A_138 = tpu.memref_squeeze %dma_wait3A_137 : memref<1x512xi32, #tpu.memory_space<hbm>> -> memref<512xi32, #tpu.memory_space<hbm>>
      tpu.wait_dma2 semaphore(%run_scoped3A_130 : memref<!tpu.dma_semaphore, #tpu.memory_space<semaphore_mem>>) src(%arg11 : memref<512xi32, #tpu.memory_space<vmem>>) dst(%dma_wait3A_138 : memref<512xi32, #tpu.memory_space<hbm>>)
      tpu.yield
    }) : () -> ()
    %eq3A_52 = arith.constant 0 : i32
    %eq3A_53 = arith.cmpi eq, %select_n3A, %eq3A_52 : i32
    %convert_element_type3A = arith.extui %eq3A_53 : i1 to i32
    %cond3A = arith.constant 0 : i32
    %cond3A_54 = arith.cmpi ne, %convert_element_type3A, %cond3A : i32
    scf.if %cond3A_54 {
      %scan3A_130 = arith.constant 0 : i32
      %scan3A_131 = arith.constant 32 : i32
      %scan3A_132 = arith.addi %scan3A_130, %scan3A_131 : i32
      %scan3A_133 = arith.constant 1 : i32
      scf.for %scan3A_136 = %scan3A_130 to %scan3A_132 step %scan3A_133  : i32 {
        %mul3A_137 = arith.constant 1 : i32
        %mul3A_138 = arith.muli %scan3A_136, %mul3A_137 : i32
        %add3A_139 = arith.constant 0 : i32
        %add3A_140 = arith.addi %add3A_139, %mul3A_138 : i32
        %iota3A = tpu.iota {dimensions = array<i32: 0>} : vector<16xi32>
        %mul3A_141 = arith.constant 16 : i32
        %mul3A_142 = arith.muli %add3A_140, %mul3A_141 : i32
        %add3A_143 = arith.addi %mul3A_32, %mul3A_142 : i32
        %add3A_144 = vector.broadcast %add3A_143 : i32 to vector<16xi32>
        %add3A_145 = arith.addi %iota3A, %add3A_144 : vector<16xi32>
        %mul3A_146 = arith.constant 16 : i32
        %mul3A_147 = arith.muli %add3A_140, %mul3A_146 : i32
        %swap3A = arith.index_cast %mul3A_147 : i32 to index
        %swap3A_148 = tpu.vector_load %arg11[%swap3A] {strides = array<i32>} : memref<512xi32, #tpu.memory_space<vmem>>, vector<16xi32>,
        %swap3A_149 = vector.shape_cast %swap3A_148 : vector<16xi32> to vector<16xi32>
        %swap3A_150 = vector.shape_cast %add3A_145 : vector<16xi32> to vector<16xi32>
        tpu.vector_store %arg11[%swap3A], %swap3A_150 {strides = array<i32>} : memref<512xi32, #tpu.memory_space<vmem>>, vector<16xi32>,
      }
      %scan3A_134 = arith.constant 32 : i32
      "tpu.region"() ({
        %run_scoped3A_136 = tpu.sem_alloc : memref<!tpu.dma_semaphore, #tpu.memory_space<semaphore_mem>>
        %dma_start3A_137 = tpu.memref_slice %arg8[%mul3A_32] : memref<4096xi32, #tpu.memory_space<hbm>> -> memref<512xi32, #tpu.memory_space<hbm>>
        %dma_start3A_138 = tpu.memref_slice %arg8[%mul3A_32] : memref<4096xi32, #tpu.memory_space<hbm>> -> memref<512xi32, #tpu.memory_space<hbm>>
        tpu.enqueue_dma source(%arg11 : memref<512xi32, #tpu.memory_space<vmem>>) target(%dma_start3A_138 : memref<512xi32, #tpu.memory_space<hbm>>) target_semaphore(%run_scoped3A_136 : memref<!tpu.dma_semaphore, #tpu.memory_space<semaphore_mem>>)
        %dma_wait3A_139 = tpu.memref_slice %arg8[%mul3A_32] : memref<4096xi32, #tpu.memory_space<hbm>> -> memref<512xi32, #tpu.memory_space<hbm>>
        %dma_wait3A_140 = tpu.memref_slice %arg8[%mul3A_32] : memref<4096xi32, #tpu.memory_space<hbm>> -> memref<512xi32, #tpu.memory_space<hbm>>
        tpu.wait_dma2 semaphore(%run_scoped3A_136 : memref<!tpu.dma_semaphore, #tpu.memory_space<semaphore_mem>>) src(%arg11 : memref<512xi32, #tpu.memory_space<vmem>>) dst(%dma_wait3A_140 : memref<512xi32, #tpu.memory_space<hbm>>)
        tpu.yield
      }) : () -> ()
      %run_scoped3A_135 = arith.constant 0 : i32
      "tpu.region"() ({
        %run_scoped3A_136 = tpu.sem_alloc : memref<!tpu.dma_semaphore, #tpu.memory_space<semaphore_mem>>
        %dma_start3A_137 = tpu.memref_slice %arg7[%run_scoped3A_135, %mul3A_32] : memref<1x4096xi32, #tpu.memory_space<hbm>> -> memref<1x512xi32, #tpu.memory_space<hbm>>
        %dma_start3A_138 = tpu.memref_squeeze %dma_start3A_137 : memref<1x512xi32, #tpu.memory_space<hbm>> -> memref<512xi32, #tpu.memory_space<hbm>>
        %dma_start3A_139 = tpu.memref_slice %arg7[%run_scoped3A_135, %mul3A_32] : memref<1x4096xi32, #tpu.memory_space<hbm>> -> memref<1x512xi32, #tpu.memory_space<hbm>>
        %dma_start3A_140 = tpu.memref_squeeze %dma_start3A_139 : memref<1x512xi32, #tpu.memory_space<hbm>> -> memref<512xi32, #tpu.memory_space<hbm>>
        tpu.enqueue_dma source(%arg11 : memref<512xi32, #tpu.memory_space<vmem>>) target(%dma_start3A_140 : memref<512xi32, #tpu.memory_space<hbm>>) target_semaphore(%run_scoped3A_136 : memref<!tpu.dma_semaphore, #tpu.memory_space<semaphore_mem>>)
        %dma_wait3A_141 = tpu.memref_slice %arg7[%run_scoped3A_135, %mul3A_32] : memref<1x4096xi32, #tpu.memory_space<hbm>> -> memref<1x512xi32, #tpu.memory_space<hbm>>
        %dma_wait3A_142 = tpu.memref_squeeze %dma_wait3A_141 : memref<1x512xi32, #tpu.memory_space<hbm>> -> memref<512xi32, #tpu.memory_space<hbm>>
        %dma_wait3A_143 = tpu.memref_slice %arg7[%run_scoped3A_135, %mul3A_32] : memref<1x4096xi32, #tpu.memory_space<hbm>> -> memref<1x512xi32, #tpu.memory_space<hbm>>
        %dma_wait3A_144 = tpu.memref_squeeze %dma_wait3A_143 : memref<1x512xi32, #tpu.memory_space<hbm>> -> memref<512xi32, #tpu.memory_space<hbm>>
        tpu.wait_dma2 semaphore(%run_scoped3A_136 : memref<!tpu.dma_semaphore, #tpu.memory_space<semaphore_mem>>) src(%arg11 : memref<512xi32, #tpu.memory_space<vmem>>) dst(%dma_wait3A_144 : memref<512xi32, #tpu.memory_space<hbm>>)
        tpu.yield
      }) : () -> ()
    } else {
    }
    %scan3A = arith.constant 0 : i32
    %scan3A_55 = arith.constant 16 : i32
    %scan3A_56 = arith.addi %scan3A, %scan3A_55 : i32
    %scan3A_57 = arith.constant 1 : i32
    scf.for %scan3A_130 = %scan3A to %scan3A_56 step %scan3A_57  : i32 {
      %mul3A_131 = arith.constant 4 : i32
      %mul3A_132 = arith.muli %scan3A_130, %mul3A_131 : i32
      %add3A_133 = arith.constant 0 : i32
      %add3A_134 = arith.addi %add3A_133, %mul3A_132 : i32
      %add3A_135 = arith.constant 0 : i32
      %add3A_136 = arith.addi %add3A_134, %add3A_135 : i32
      %ge3A = arith.constant 2 : i32
      %ge3A_137 = arith.cmpi sge, %add3A_136, %ge3A : i32
      %add3A_138 = arith.constant 2 : i32
      %add3A_139 = arith.addi %add3A_136, %add3A_138 : i32
      %lt3A_140 = arith.constant 64 : i32
      %lt3A_141 = arith.cmpi slt, %add3A_139, %lt3A_140 : i32
      %and3A_142 = arith.andi %ge3A_137, %lt3A_141 : i1
      %convert_element_type3A_143 = arith.extui %and3A_142 : i1 to i32
      %cond3A_144 = arith.constant 0 : i32
      %cond3A_145 = arith.cmpi ne, %convert_element_type3A_143, %cond3A_144 : i32
      scf.if %cond3A_145 {
        %sub3A_326 = arith.constant 2 : i32
        %sub3A_327 = arith.subi %add3A_136, %sub3A_326 : i32
        %mul3A_328 = arith.constant 8 : i32
        %mul3A_329 = arith.muli %sub3A_327, %mul3A_328 : i32
        %add3A_330 = arith.addi %mul3A_32, %mul3A_329 : i32
        %dma_wait3A_331 = arith.constant 2 : i32
        %dma_wait3A_332 = arith.constant 0 : i32
        %dma_wait3A_333 = arith.constant 0 : i32
        %dma_wait3A_334 = tpu.memref_slice %arg10[%dma_wait3A_331, %dma_wait3A_332, %dma_wait3A_333] : memref<4x8x2048xf32, #tpu.memory_space<vmem>> -> memref<1x8x2048xf32, #tpu.memory_space<vmem>>
        %dma_wait3A_335 = tpu.memref_squeeze %dma_wait3A_334 : memref<1x8x2048xf32, #tpu.memory_space<vmem>> -> memref<8x2048xf32, #tpu.memory_space<vmem>>
        %dma_wait3A_336 = arith.constant 0 : i32
        %dma_wait3A_337 = tpu.memref_slice %arg5[%select_n3A, %add3A_330, %dma_wait3A_336] : memref<4x4096x2048xf32, #tpu.memory_space<hbm>> -> memref<1x8x2048xf32, #tpu.memory_space<hbm>>
        %dma_wait3A_338 = tpu.memref_squeeze %dma_wait3A_337 : memref<1x8x2048xf32, #tpu.memory_space<hbm>> -> memref<8x2048xf32, #tpu.memory_space<hbm>>
        %dma_wait3A_339 = arith.constant 0 : i32
        %dma_wait3A_340 = tpu.memref_slice %arg5[%select_n3A, %add3A_330, %dma_wait3A_339] : memref<4x4096x2048xf32, #tpu.memory_space<hbm>> -> memref<1x8x2048xf32, #tpu.memory_space<hbm>>
        %dma_wait3A_341 = tpu.memref_squeeze %dma_wait3A_340 : memref<1x8x2048xf32, #tpu.memory_space<hbm>> -> memref<8x2048xf32, #tpu.memory_space<hbm>>
        %dma_wait3A_342 = arith.constant 0 : i32
        %dma_wait3A_343 = arith.constant 0 : i32
        %dma_wait3A_344 = tpu.memref_slice %arg10[%dma_wait3A_331, %dma_wait3A_342, %dma_wait3A_343] : memref<4x8x2048xf32, #tpu.memory_space<vmem>> -> memref<1x8x2048xf32, #tpu.memory_space<vmem>>
        %dma_wait3A_345 = tpu.memref_squeeze %dma_wait3A_344 : memref<1x8x2048xf32, #tpu.memory_space<vmem>> -> memref<8x2048xf32, #tpu.memory_space<vmem>>
        tpu.wait_dma2 semaphore(%arg18 : memref<!tpu.dma_semaphore, #tpu.memory_space<semaphore_mem>>) src(%dma_wait3A_345 : memref<8x2048xf32, #tpu.memory_space<vmem>>) dst(%dma_wait3A_341 : memref<8x2048xf32, #tpu.memory_space<hbm>>)
      } else {
      }
      %add3A_146 = arith.constant 2 : i32
      %add3A_147 = arith.addi %add3A_136, %add3A_146 : i32
      %lt3A_148 = arith.constant 64 : i32
      %lt3A_149 = arith.cmpi slt, %add3A_147, %lt3A_148 : i32
      %convert_element_type3A_150 = arith.extui %lt3A_149 : i1 to i32
      %cond3A_151 = arith.constant 0 : i32
      %cond3A_152 = arith.cmpi ne, %convert_element_type3A_150, %cond3A_151 : i32
      scf.if %cond3A_152 {
        %add3A_326 = arith.constant 2 : i32
        %add3A_327 = arith.addi %add3A_136, %add3A_326 : i32
        %mul3A_328 = arith.constant 8 : i32
        %mul3A_329 = arith.muli %add3A_327, %mul3A_328 : i32
        %dma_start3A_330 = arith.constant 2 : i32
        %dma_start3A_331 = arith.constant 0 : i32
        %dma_start3A_332 = arith.constant 0 : i32
        %dma_start3A_333 = tpu.memref_slice %arg10[%dma_start3A_330, %dma_start3A_331, %dma_start3A_332] : memref<4x8x2048xf32, #tpu.memory_space<vmem>> -> memref<1x8x2048xf32, #tpu.memory_space<vmem>>
        %dma_start3A_334 = tpu.memref_squeeze %dma_start3A_333 : memref<1x8x2048xf32, #tpu.memory_space<vmem>> -> memref<8x2048xf32, #tpu.memory_space<vmem>>
        %dma_start3A_335 = tpu.memref_slice %arg9[%mul3A_329] : memref<512xi32, #tpu.memory_space<vmem>> -> memref<8xi32, #tpu.memory_space<vmem>>
        %dma_start3A_336 = arith.constant 0 : i32
        %dma_start3A_337 = arith.constant 0 : i32
        %dma_start3A_338 = tpu.memref_slice %arg3[%dma_start3A_336, %dma_start3A_337] : memref<151936x2048xf32, #tpu.memory_space<hbm>> -> memref<151936x2048xf32, #tpu.memory_space<hbm>>
        tpu.enqueue_indirect_dma source(%dma_start3A_338 : memref<151936x2048xf32, #tpu.memory_space<hbm>>) target(%dma_start3A_334 : memref<8x2048xf32, #tpu.memory_space<vmem>>) offsets(%dma_start3A_335 : memref<8xi32, #tpu.memory_space<vmem>>) semaphore(%arg14 : memref<!tpu.dma_semaphore, #tpu.memory_space<semaphore_mem>>)
      } else {
      }
      %mul3A_153 = arith.constant 8 : i32
      %mul3A_154 = arith.muli %add3A_136, %mul3A_153 : i32
      %dma_wait3A_155 = arith.constant 0 : i32
      %dma_wait3A_156 = arith.constant 0 : i32
      %dma_wait3A_157 = arith.constant 0 : i32
      %dma_wait3A_158 = tpu.memref_slice %arg10[%dma_wait3A_155, %dma_wait3A_156, %dma_wait3A_157] : memref<4x8x2048xf32, #tpu.memory_space<vmem>> -> memref<1x8x2048xf32, #tpu.memory_space<vmem>>
      %dma_wait3A_159 = tpu.memref_squeeze %dma_wait3A_158 : memref<1x8x2048xf32, #tpu.memory_space<vmem>> -> memref<8x2048xf32, #tpu.memory_space<vmem>>
      %dma_wait3A_160 = tpu.memref_slice %arg9[%mul3A_154] : memref<512xi32, #tpu.memory_space<vmem>> -> memref<8xi32, #tpu.memory_space<vmem>>
      %dma_wait3A_161 = arith.constant 0 : i32
      %dma_wait3A_162 = arith.constant 0 : i32
      %dma_wait3A_163 = tpu.memref_slice %arg3[%dma_wait3A_161, %dma_wait3A_162] : memref<151936x2048xf32, #tpu.memory_space<hbm>> -> memref<151936x2048xf32, #tpu.memory_space<hbm>>
      tpu.wait_indirect_dma semaphore(%arg12 : memref<!tpu.dma_semaphore, #tpu.memory_space<semaphore_mem>>) src(%dma_wait3A_163 : memref<151936x2048xf32, #tpu.memory_space<hbm>>) dst(%dma_wait3A_159 : memref<8x2048xf32, #tpu.memory_space<vmem>>)
      %mul3A_164 = arith.constant 8 : i32
      %mul3A_165 = arith.muli %add3A_136, %mul3A_164 : i32
      %add3A_166 = arith.addi %mul3A_32, %mul3A_165 : i32
      %dma_start3A_167 = arith.constant 0 : i32
      %dma_start3A_168 = arith.constant 0 : i32
      %dma_start3A_169 = arith.constant 0 : i32
      %dma_start3A_170 = tpu.memref_slice %arg10[%dma_start3A_167, %dma_start3A_168, %dma_start3A_169] : memref<4x8x2048xf32, #tpu.memory_space<vmem>> -> memref<1x8x2048xf32, #tpu.memory_space<vmem>>
      %dma_start3A_171 = tpu.memref_squeeze %dma_start3A_170 : memref<1x8x2048xf32, #tpu.memory_space<vmem>> -> memref<8x2048xf32, #tpu.memory_space<vmem>>
      %dma_start3A_172 = arith.constant 0 : i32
      %dma_start3A_173 = tpu.memref_slice %arg5[%select_n3A, %add3A_166, %dma_start3A_172] : memref<4x4096x2048xf32, #tpu.memory_space<hbm>> -> memref<1x8x2048xf32, #tpu.memory_space<hbm>>
      %dma_start3A_174 = tpu.memref_squeeze %dma_start3A_173 : memref<1x8x2048xf32, #tpu.memory_space<hbm>> -> memref<8x2048xf32, #tpu.memory_space<hbm>>
      %dma_start3A_175 = arith.constant 0 : i32
      %dma_start3A_176 = tpu.memref_slice %arg5[%select_n3A, %add3A_166, %dma_start3A_175] : memref<4x4096x2048xf32, #tpu.memory_space<hbm>> -> memref<1x8x2048xf32, #tpu.memory_space<hbm>>
      %dma_start3A_177 = tpu.memref_squeeze %dma_start3A_176 : memref<1x8x2048xf32, #tpu.memory_space<hbm>> -> memref<8x2048xf32, #tpu.memory_space<hbm>>
      %dma_start3A_178 = arith.constant 0 : i32
      %dma_start3A_179 = arith.constant 0 : i32
      %dma_start3A_180 = tpu.memref_slice %arg10[%dma_start3A_167, %dma_start3A_178, %dma_start3A_179] : memref<4x8x2048xf32, #tpu.memory_space<vmem>> -> memref<1x8x2048xf32, #tpu.memory_space<vmem>>
      %dma_start3A_181 = tpu.memref_squeeze %dma_start3A_180 : memref<1x8x2048xf32, #tpu.memory_space<vmem>> -> memref<8x2048xf32, #tpu.memory_space<vmem>>
      tpu.enqueue_dma source(%dma_start3A_181 : memref<8x2048xf32, #tpu.memory_space<vmem>>) target(%dma_start3A_177 : memref<8x2048xf32, #tpu.memory_space<hbm>>) target_semaphore(%arg16 : memref<!tpu.dma_semaphore, #tpu.memory_space<semaphore_mem>>)
      %add3A_182 = arith.constant 1 : i32
      %add3A_183 = arith.addi %add3A_134, %add3A_182 : i32
      %ge3A_184 = arith.constant 2 : i32
      %ge3A_185 = arith.cmpi sge, %add3A_183, %ge3A_184 : i32
      %add3A_186 = arith.constant 2 : i32
      %add3A_187 = arith.addi %add3A_183, %add3A_186 : i32
      %lt3A_188 = arith.constant 64 : i32
      %lt3A_189 = arith.cmpi slt, %add3A_187, %lt3A_188 : i32
      %and3A_190 = arith.andi %ge3A_185, %lt3A_189 : i1
      %convert_element_type3A_191 = arith.extui %and3A_190 : i1 to i32
      %cond3A_192 = arith.constant 0 : i32
      %cond3A_193 = arith.cmpi ne, %convert_element_type3A_191, %cond3A_192 : i32
      scf.if %cond3A_193 {
        %sub3A_326 = arith.constant 2 : i32
        %sub3A_327 = arith.subi %add3A_183, %sub3A_326 : i32
        %mul3A_328 = arith.constant 8 : i32
        %mul3A_329 = arith.muli %sub3A_327, %mul3A_328 : i32
        %add3A_330 = arith.addi %mul3A_32, %mul3A_329 : i32
        %dma_wait3A_331 = arith.constant 3 : i32
        %dma_wait3A_332 = arith.constant 0 : i32
        %dma_wait3A_333 = arith.constant 0 : i32
        %dma_wait3A_334 = tpu.memref_slice %arg10[%dma_wait3A_331, %dma_wait3A_332, %dma_wait3A_333] : memref<4x8x2048xf32, #tpu.memory_space<vmem>> -> memref<1x8x2048xf32, #tpu.memory_space<vmem>>
        %dma_wait3A_335 = tpu.memref_squeeze %dma_wait3A_334 : memref<1x8x2048xf32, #tpu.memory_space<vmem>> -> memref<8x2048xf32, #tpu.memory_space<vmem>>
        %dma_wait3A_336 = arith.constant 0 : i32
        %dma_wait3A_337 = tpu.memref_slice %arg5[%select_n3A, %add3A_330, %dma_wait3A_336] : memref<4x4096x2048xf32, #tpu.memory_space<hbm>> -> memref<1x8x2048xf32, #tpu.memory_space<hbm>>
        %dma_wait3A_338 = tpu.memref_squeeze %dma_wait3A_337 : memref<1x8x2048xf32, #tpu.memory_space<hbm>> -> memref<8x2048xf32, #tpu.memory_space<hbm>>
        %dma_wait3A_339 = arith.constant 0 : i32
        %dma_wait3A_340 = tpu.memref_slice %arg5[%select_n3A, %add3A_330, %dma_wait3A_339] : memref<4x4096x2048xf32, #tpu.memory_space<hbm>> -> memref<1x8x2048xf32, #tpu.memory_space<hbm>>
        %dma_wait3A_341 = tpu.memref_squeeze %dma_wait3A_340 : memref<1x8x2048xf32, #tpu.memory_space<hbm>> -> memref<8x2048xf32, #tpu.memory_space<hbm>>
        %dma_wait3A_342 = arith.constant 0 : i32
        %dma_wait3A_343 = arith.constant 0 : i32
        %dma_wait3A_344 = tpu.memref_slice %arg10[%dma_wait3A_331, %dma_wait3A_342, %dma_wait3A_343] : memref<4x8x2048xf32, #tpu.memory_space<vmem>> -> memref<1x8x2048xf32, #tpu.memory_space<vmem>>
        %dma_wait3A_345 = tpu.memref_squeeze %dma_wait3A_344 : memref<1x8x2048xf32, #tpu.memory_space<vmem>> -> memref<8x2048xf32, #tpu.memory_space<vmem>>
        tpu.wait_dma2 semaphore(%arg19 : memref<!tpu.dma_semaphore, #tpu.memory_space<semaphore_mem>>) src(%dma_wait3A_345 : memref<8x2048xf32, #tpu.memory_space<vmem>>) dst(%dma_wait3A_341 : memref<8x2048xf32, #tpu.memory_space<hbm>>)
      } else {
      }
      %add3A_194 = arith.constant 2 : i32
      %add3A_195 = arith.addi %add3A_183, %add3A_194 : i32
      %lt3A_196 = arith.constant 64 : i32
      %lt3A_197 = arith.cmpi slt, %add3A_195, %lt3A_196 : i32
      %convert_element_type3A_198 = arith.extui %lt3A_197 : i1 to i32
      %cond3A_199 = arith.constant 0 : i32
      %cond3A_200 = arith.cmpi ne, %convert_element_type3A_198, %cond3A_199 : i32
      scf.if %cond3A_200 {
        %add3A_326 = arith.constant 2 : i32
        %add3A_327 = arith.addi %add3A_183, %add3A_326 : i32
        %mul3A_328 = arith.constant 8 : i32
        %mul3A_329 = arith.muli %add3A_327, %mul3A_328 : i32
        %dma_start3A_330 = arith.constant 3 : i32
        %dma_start3A_331 = arith.constant 0 : i32
        %dma_start3A_332 = arith.constant 0 : i32
        %dma_start3A_333 = tpu.memref_slice %arg10[%dma_start3A_330, %dma_start3A_331, %dma_start3A_332] : memref<4x8x2048xf32, #tpu.memory_space<vmem>> -> memref<1x8x2048xf32, #tpu.memory_space<vmem>>
        %dma_start3A_334 = tpu.memref_squeeze %dma_start3A_333 : memref<1x8x2048xf32, #tpu.memory_space<vmem>> -> memref<8x2048xf32, #tpu.memory_space<vmem>>
        %dma_start3A_335 = tpu.memref_slice %arg9[%mul3A_329] : memref<512xi32, #tpu.memory_space<vmem>> -> memref<8xi32, #tpu.memory_space<vmem>>
        %dma_start3A_336 = arith.constant 0 : i32
        %dma_start3A_337 = arith.constant 0 : i32
        %dma_start3A_338 = tpu.memref_slice %arg3[%dma_start3A_336, %dma_start3A_337] : memref<151936x2048xf32, #tpu.memory_space<hbm>> -> memref<151936x2048xf32, #tpu.memory_space<hbm>>
        tpu.enqueue_indirect_dma source(%dma_start3A_338 : memref<151936x2048xf32, #tpu.memory_space<hbm>>) target(%dma_start3A_334 : memref<8x2048xf32, #tpu.memory_space<vmem>>) offsets(%dma_start3A_335 : memref<8xi32, #tpu.memory_space<vmem>>) semaphore(%arg15 : memref<!tpu.dma_semaphore, #tpu.memory_space<semaphore_mem>>)
      } else {
      }
      %mul3A_201 = arith.constant 8 : i32
      %mul3A_202 = arith.muli %add3A_183, %mul3A_201 : i32
      %dma_wait3A_203 = arith.constant 1 : i32
      %dma_wait3A_204 = arith.constant 0 : i32
      %dma_wait3A_205 = arith.constant 0 : i32
      %dma_wait3A_206 = tpu.memref_slice %arg10[%dma_wait3A_203, %dma_wait3A_204, %dma_wait3A_205] : memref<4x8x2048xf32, #tpu.memory_space<vmem>> -> memref<1x8x2048xf32, #tpu.memory_space<vmem>>
      %dma_wait3A_207 = tpu.memref_squeeze %dma_wait3A_206 : memref<1x8x2048xf32, #tpu.memory_space<vmem>> -> memref<8x2048xf32, #tpu.memory_space<vmem>>
      %dma_wait3A_208 = tpu.memref_slice %arg9[%mul3A_202] : memref<512xi32, #tpu.memory_space<vmem>> -> memref<8xi32, #tpu.memory_space<vmem>>
      %dma_wait3A_209 = arith.constant 0 : i32
      %dma_wait3A_210 = arith.constant 0 : i32
      %dma_wait3A_211 = tpu.memref_slice %arg3[%dma_wait3A_209, %dma_wait3A_210] : memref<151936x2048xf32, #tpu.memory_space<hbm>> -> memref<151936x2048xf32, #tpu.memory_space<hbm>>
      tpu.wait_indirect_dma semaphore(%arg13 : memref<!tpu.dma_semaphore, #tpu.memory_space<semaphore_mem>>) src(%dma_wait3A_211 : memref<151936x2048xf32, #tpu.memory_space<hbm>>) dst(%dma_wait3A_207 : memref<8x2048xf32, #tpu.memory_space<vmem>>)
      %mul3A_212 = arith.constant 8 : i32
      %mul3A_213 = arith.muli %add3A_183, %mul3A_212 : i32
      %add3A_214 = arith.addi %mul3A_32, %mul3A_213 : i32
      %dma_start3A_215 = arith.constant 1 : i32
      %dma_start3A_216 = arith.constant 0 : i32
      %dma_start3A_217 = arith.constant 0 : i32
      %dma_start3A_218 = tpu.memref_slice %arg10[%dma_start3A_215, %dma_start3A_216, %dma_start3A_217] : memref<4x8x2048xf32, #tpu.memory_space<vmem>> -> memref<1x8x2048xf32, #tpu.memory_space<vmem>>
      %dma_start3A_219 = tpu.memref_squeeze %dma_start3A_218 : memref<1x8x2048xf32, #tpu.memory_space<vmem>> -> memref<8x2048xf32, #tpu.memory_space<vmem>>
      %dma_start3A_220 = arith.constant 0 : i32
      %dma_start3A_221 = tpu.memref_slice %arg5[%select_n3A, %add3A_214, %dma_start3A_220] : memref<4x4096x2048xf32, #tpu.memory_space<hbm>> -> memref<1x8x2048xf32, #tpu.memory_space<hbm>>
      %dma_start3A_222 = tpu.memref_squeeze %dma_start3A_221 : memref<1x8x2048xf32, #tpu.memory_space<hbm>> -> memref<8x2048xf32, #tpu.memory_space<hbm>>
      %dma_start3A_223 = arith.constant 0 : i32
      %dma_start3A_224 = tpu.memref_slice %arg5[%select_n3A, %add3A_214, %dma_start3A_223] : memref<4x4096x2048xf32, #tpu.memory_space<hbm>> -> memref<1x8x2048xf32, #tpu.memory_space<hbm>>
      %dma_start3A_225 = tpu.memref_squeeze %dma_start3A_224 : memref<1x8x2048xf32, #tpu.memory_space<hbm>> -> memref<8x2048xf32, #tpu.memory_space<hbm>>
      %dma_start3A_226 = arith.constant 0 : i32
      %dma_start3A_227 = arith.constant 0 : i32
      %dma_start3A_228 = tpu.memref_slice %arg10[%dma_start3A_215, %dma_start3A_226, %dma_start3A_227] : memref<4x8x2048xf32, #tpu.memory_space<vmem>> -> memref<1x8x2048xf32, #tpu.memory_space<vmem>>
      %dma_start3A_229 = tpu.memref_squeeze %dma_start3A_228 : memref<1x8x2048xf32, #tpu.memory_space<vmem>> -> memref<8x2048xf32, #tpu.memory_space<vmem>>
      tpu.enqueue_dma source(%dma_start3A_229 : memref<8x2048xf32, #tpu.memory_space<vmem>>) target(%dma_start3A_225 : memref<8x2048xf32, #tpu.memory_space<hbm>>) target_semaphore(%arg17 : memref<!tpu.dma_semaphore, #tpu.memory_space<semaphore_mem>>)
      %add3A_230 = arith.constant 2 : i32
      %add3A_231 = arith.addi %add3A_134, %add3A_230 : i32
      %ge3A_232 = arith.constant 2 : i32
      %ge3A_233 = arith.cmpi sge, %add3A_231, %ge3A_232 : i32
      %add3A_234 = arith.constant 2 : i32
      %add3A_235 = arith.addi %add3A_231, %add3A_234 : i32
      %lt3A_236 = arith.constant 64 : i32
      %lt3A_237 = arith.cmpi slt, %add3A_235, %lt3A_236 : i32
      %and3A_238 = arith.andi %ge3A_233, %lt3A_237 : i1
      %convert_element_type3A_239 = arith.extui %and3A_238 : i1 to i32
      %cond3A_240 = arith.constant 0 : i32
      %cond3A_241 = arith.cmpi ne, %convert_element_type3A_239, %cond3A_240 : i32
      scf.if %cond3A_241 {
        %sub3A_326 = arith.constant 2 : i32
        %sub3A_327 = arith.subi %add3A_231, %sub3A_326 : i32
        %mul3A_328 = arith.constant 8 : i32
        %mul3A_329 = arith.muli %sub3A_327, %mul3A_328 : i32
        %add3A_330 = arith.addi %mul3A_32, %mul3A_329 : i32
        %dma_wait3A_331 = arith.constant 0 : i32
        %dma_wait3A_332 = arith.constant 0 : i32
        %dma_wait3A_333 = arith.constant 0 : i32
        %dma_wait3A_334 = tpu.memref_slice %arg10[%dma_wait3A_331, %dma_wait3A_332, %dma_wait3A_333] : memref<4x8x2048xf32, #tpu.memory_space<vmem>> -> memref<1x8x2048xf32, #tpu.memory_space<vmem>>
        %dma_wait3A_335 = tpu.memref_squeeze %dma_wait3A_334 : memref<1x8x2048xf32, #tpu.memory_space<vmem>> -> memref<8x2048xf32, #tpu.memory_space<vmem>>
        %dma_wait3A_336 = arith.constant 0 : i32
        %dma_wait3A_337 = tpu.memref_slice %arg5[%select_n3A, %add3A_330, %dma_wait3A_336] : memref<4x4096x2048xf32, #tpu.memory_space<hbm>> -> memref<1x8x2048xf32, #tpu.memory_space<hbm>>
        %dma_wait3A_338 = tpu.memref_squeeze %dma_wait3A_337 : memref<1x8x2048xf32, #tpu.memory_space<hbm>> -> memref<8x2048xf32, #tpu.memory_space<hbm>>
        %dma_wait3A_339 = arith.constant 0 : i32
        %dma_wait3A_340 = tpu.memref_slice %arg5[%select_n3A, %add3A_330, %dma_wait3A_339] : memref<4x4096x2048xf32, #tpu.memory_space<hbm>> -> memref<1x8x2048xf32, #tpu.memory_space<hbm>>
        %dma_wait3A_341 = tpu.memref_squeeze %dma_wait3A_340 : memref<1x8x2048xf32, #tpu.memory_space<hbm>> -> memref<8x2048xf32, #tpu.memory_space<hbm>>
        %dma_wait3A_342 = arith.constant 0 : i32
        %dma_wait3A_343 = arith.constant 0 : i32
        %dma_wait3A_344 = tpu.memref_slice %arg10[%dma_wait3A_331, %dma_wait3A_342, %dma_wait3A_343] : memref<4x8x2048xf32, #tpu.memory_space<vmem>> -> memref<1x8x2048xf32, #tpu.memory_space<vmem>>
        %dma_wait3A_345 = tpu.memref_squeeze %dma_wait3A_344 : memref<1x8x2048xf32, #tpu.memory_space<vmem>> -> memref<8x2048xf32, #tpu.memory_space<vmem>>
        tpu.wait_dma2 semaphore(%arg16 : memref<!tpu.dma_semaphore, #tpu.memory_space<semaphore_mem>>) src(%dma_wait3A_345 : memref<8x2048xf32, #tpu.memory_space<vmem>>) dst(%dma_wait3A_341 : memref<8x2048xf32, #tpu.memory_space<hbm>>)
      } else {
      }
      %add3A_242 = arith.constant 2 : i32
      %add3A_243 = arith.addi %add3A_231, %add3A_242 : i32
      %lt3A_244 = arith.constant 64 : i32
      %lt3A_245 = arith.cmpi slt, %add3A_243, %lt3A_244 : i32
      %convert_element_type3A_246 = arith.extui %lt3A_245 : i1 to i32
      %cond3A_247 = arith.constant 0 : i32
      %cond3A_248 = arith.cmpi ne, %convert_element_type3A_246, %cond3A_247 : i32
      scf.if %cond3A_248 {
        %add3A_326 = arith.constant 2 : i32
        %add3A_327 = arith.addi %add3A_231, %add3A_326 : i32
        %mul3A_328 = arith.constant 8 : i32
        %mul3A_329 = arith.muli %add3A_327, %mul3A_328 : i32
        %dma_start3A_330 = arith.constant 0 : i32
        %dma_start3A_331 = arith.constant 0 : i32
        %dma_start3A_332 = arith.constant 0 : i32
        %dma_start3A_333 = tpu.memref_slice %arg10[%dma_start3A_330, %dma_start3A_331, %dma_start3A_332] : memref<4x8x2048xf32, #tpu.memory_space<vmem>> -> memref<1x8x2048xf32, #tpu.memory_space<vmem>>
        %dma_start3A_334 = tpu.memref_squeeze %dma_start3A_333 : memref<1x8x2048xf32, #tpu.memory_space<vmem>> -> memref<8x2048xf32, #tpu.memory_space<vmem>>
        %dma_start3A_335 = tpu.memref_slice %arg9[%mul3A_329] : memref<512xi32, #tpu.memory_space<vmem>> -> memref<8xi32, #tpu.memory_space<vmem>>
        %dma_start3A_336 = arith.constant 0 : i32
        %dma_start3A_337 = arith.constant 0 : i32
        %dma_start3A_338 = tpu.memref_slice %arg3[%dma_start3A_336, %dma_start3A_337] : memref<151936x2048xf32, #tpu.memory_space<hbm>> -> memref<151936x2048xf32, #tpu.memory_space<hbm>>
        tpu.enqueue_indirect_dma source(%dma_start3A_338 : memref<151936x2048xf32, #tpu.memory_space<hbm>>) target(%dma_start3A_334 : memref<8x2048xf32, #tpu.memory_space<vmem>>) offsets(%dma_start3A_335 : memref<8xi32, #tpu.memory_space<vmem>>) semaphore(%arg12 : memref<!tpu.dma_semaphore, #tpu.memory_space<semaphore_mem>>)
      } else {
      }
      %mul3A_249 = arith.constant 8 : i32
      %mul3A_250 = arith.muli %add3A_231, %mul3A_249 : i32
      %dma_wait3A_251 = arith.constant 2 : i32
      %dma_wait3A_252 = arith.constant 0 : i32
      %dma_wait3A_253 = arith.constant 0 : i32
      %dma_wait3A_254 = tpu.memref_slice %arg10[%dma_wait3A_251, %dma_wait3A_252, %dma_wait3A_253] : memref<4x8x2048xf32, #tpu.memory_space<vmem>> -> memref<1x8x2048xf32, #tpu.memory_space<vmem>>
      %dma_wait3A_255 = tpu.memref_squeeze %dma_wait3A_254 : memref<1x8x2048xf32, #tpu.memory_space<vmem>> -> memref<8x2048xf32, #tpu.memory_space<vmem>>
      %dma_wait3A_256 = tpu.memref_slice %arg9[%mul3A_250] : memref<512xi32, #tpu.memory_space<vmem>> -> memref<8xi32, #tpu.memory_space<vmem>>
      %dma_wait3A_257 = arith.constant 0 : i32
      %dma_wait3A_258 = arith.constant 0 : i32
      %dma_wait3A_259 = tpu.memref_slice %arg3[%dma_wait3A_257, %dma_wait3A_258] : memref<151936x2048xf32, #tpu.memory_space<hbm>> -> memref<151936x2048xf32, #tpu.memory_space<hbm>>
      tpu.wait_indirect_dma semaphore(%arg14 : memref<!tpu.dma_semaphore, #tpu.memory_space<semaphore_mem>>) src(%dma_wait3A_259 : memref<151936x2048xf32, #tpu.memory_space<hbm>>) dst(%dma_wait3A_255 : memref<8x2048xf32, #tpu.memory_space<vmem>>)
      %mul3A_260 = arith.constant 8 : i32
      %mul3A_261 = arith.muli %add3A_231, %mul3A_260 : i32
      %add3A_262 = arith.addi %mul3A_32, %mul3A_261 : i32
      %dma_start3A_263 = arith.constant 2 : i32
      %dma_start3A_264 = arith.constant 0 : i32
      %dma_start3A_265 = arith.constant 0 : i32
      %dma_start3A_266 = tpu.memref_slice %arg10[%dma_start3A_263, %dma_start3A_264, %dma_start3A_265] : memref<4x8x2048xf32, #tpu.memory_space<vmem>> -> memref<1x8x2048xf32, #tpu.memory_space<vmem>>
      %dma_start3A_267 = tpu.memref_squeeze %dma_start3A_266 : memref<1x8x2048xf32, #tpu.memory_space<vmem>> -> memref<8x2048xf32, #tpu.memory_space<vmem>>
      %dma_start3A_268 = arith.constant 0 : i32
      %dma_start3A_269 = tpu.memref_slice %arg5[%select_n3A, %add3A_262, %dma_start3A_268] : memref<4x4096x2048xf32, #tpu.memory_space<hbm>> -> memref<1x8x2048xf32, #tpu.memory_space<hbm>>
      %dma_start3A_270 = tpu.memref_squeeze %dma_start3A_269 : memref<1x8x2048xf32, #tpu.memory_space<hbm>> -> memref<8x2048xf32, #tpu.memory_space<hbm>>
      %dma_start3A_271 = arith.constant 0 : i32
      %dma_start3A_272 = tpu.memref_slice %arg5[%select_n3A, %add3A_262, %dma_start3A_271] : memref<4x4096x2048xf32, #tpu.memory_space<hbm>> -> memref<1x8x2048xf32, #tpu.memory_space<hbm>>
      %dma_start3A_273 = tpu.memref_squeeze %dma_start3A_272 : memref<1x8x2048xf32, #tpu.memory_space<hbm>> -> memref<8x2048xf32, #tpu.memory_space<hbm>>
      %dma_start3A_274 = arith.constant 0 : i32
      %dma_start3A_275 = arith.constant 0 : i32
      %dma_start3A_276 = tpu.memref_slice %arg10[%dma_start3A_263, %dma_start3A_274, %dma_start3A_275] : memref<4x8x2048xf32, #tpu.memory_space<vmem>> -> memref<1x8x2048xf32, #tpu.memory_space<vmem>>
      %dma_start3A_277 = tpu.memref_squeeze %dma_start3A_276 : memref<1x8x2048xf32, #tpu.memory_space<vmem>> -> memref<8x2048xf32, #tpu.memory_space<vmem>>
      tpu.enqueue_dma source(%dma_start3A_277 : memref<8x2048xf32, #tpu.memory_space<vmem>>) target(%dma_start3A_273 : memref<8x2048xf32, #tpu.memory_space<hbm>>) target_semaphore(%arg18 : memref<!tpu.dma_semaphore, #tpu.memory_space<semaphore_mem>>)
      %add3A_278 = arith.constant 3 : i32
      %add3A_279 = arith.addi %add3A_134, %add3A_278 : i32
      %ge3A_280 = arith.constant 2 : i32
      %ge3A_281 = arith.cmpi sge, %add3A_279, %ge3A_280 : i32
      %add3A_282 = arith.constant 2 : i32
      %add3A_283 = arith.addi %add3A_279, %add3A_282 : i32
      %lt3A_284 = arith.constant 64 : i32
      %lt3A_285 = arith.cmpi slt, %add3A_283, %lt3A_284 : i32
      %and3A_286 = arith.andi %ge3A_281, %lt3A_285 : i1
      %convert_element_type3A_287 = arith.extui %and3A_286 : i1 to i32
      %cond3A_288 = arith.constant 0 : i32
      %cond3A_289 = arith.cmpi ne, %convert_element_type3A_287, %cond3A_288 : i32
      scf.if %cond3A_289 {
        %sub3A_326 = arith.constant 2 : i32
        %sub3A_327 = arith.subi %add3A_279, %sub3A_326 : i32
        %mul3A_328 = arith.constant 8 : i32
        %mul3A_329 = arith.muli %sub3A_327, %mul3A_328 : i32
        %add3A_330 = arith.addi %mul3A_32, %mul3A_329 : i32
        %dma_wait3A_331 = arith.constant 1 : i32
        %dma_wait3A_332 = arith.constant 0 : i32
        %dma_wait3A_333 = arith.constant 0 : i32
        %dma_wait3A_334 = tpu.memref_slice %arg10[%dma_wait3A_331, %dma_wait3A_332, %dma_wait3A_333] : memref<4x8x2048xf32, #tpu.memory_space<vmem>> -> memref<1x8x2048xf32, #tpu.memory_space<vmem>>
        %dma_wait3A_335 = tpu.memref_squeeze %dma_wait3A_334 : memref<1x8x2048xf32, #tpu.memory_space<vmem>> -> memref<8x2048xf32, #tpu.memory_space<vmem>>
        %dma_wait3A_336 = arith.constant 0 : i32
        %dma_wait3A_337 = tpu.memref_slice %arg5[%select_n3A, %add3A_330, %dma_wait3A_336] : memref<4x4096x2048xf32, #tpu.memory_space<hbm>> -> memref<1x8x2048xf32, #tpu.memory_space<hbm>>
        %dma_wait3A_338 = tpu.memref_squeeze %dma_wait3A_337 : memref<1x8x2048xf32, #tpu.memory_space<hbm>> -> memref<8x2048xf32, #tpu.memory_space<hbm>>
        %dma_wait3A_339 = arith.constant 0 : i32
        %dma_wait3A_340 = tpu.memref_slice %arg5[%select_n3A, %add3A_330, %dma_wait3A_339] : memref<4x4096x2048xf32, #tpu.memory_space<hbm>> -> memref<1x8x2048xf32, #tpu.memory_space<hbm>>
        %dma_wait3A_341 = tpu.memref_squeeze %dma_wait3A_340 : memref<1x8x2048xf32, #tpu.memory_space<hbm>> -> memref<8x2048xf32, #tpu.memory_space<hbm>>
        %dma_wait3A_342 = arith.constant 0 : i32
        %dma_wait3A_343 = arith.constant 0 : i32
        %dma_wait3A_344 = tpu.memref_slice %arg10[%dma_wait3A_331, %dma_wait3A_342, %dma_wait3A_343] : memref<4x8x2048xf32, #tpu.memory_space<vmem>> -> memref<1x8x2048xf32, #tpu.memory_space<vmem>>
        %dma_wait3A_345 = tpu.memref_squeeze %dma_wait3A_344 : memref<1x8x2048xf32, #tpu.memory_space<vmem>> -> memref<8x2048xf32, #tpu.memory_space<vmem>>
        tpu.wait_dma2 semaphore(%arg17 : memref<!tpu.dma_semaphore, #tpu.memory_space<semaphore_mem>>) src(%dma_wait3A_345 : memref<8x2048xf32, #tpu.memory_space<vmem>>) dst(%dma_wait3A_341 : memref<8x2048xf32, #tpu.memory_space<hbm>>)
      } else {
      }
      %add3A_290 = arith.constant 2 : i32
      %add3A_291 = arith.addi %add3A_279, %add3A_290 : i32
      %lt3A_292 = arith.constant 64 : i32
      %lt3A_293 = arith.cmpi slt, %add3A_291, %lt3A_292 : i32
      %convert_element_type3A_294 = arith.extui %lt3A_293 : i1 to i32
      %cond3A_295 = arith.constant 0 : i32
      %cond3A_296 = arith.cmpi ne, %convert_element_type3A_294, %cond3A_295 : i32
      scf.if %cond3A_296 {
        %add3A_326 = arith.constant 2 : i32
        %add3A_327 = arith.addi %add3A_279, %add3A_326 : i32
        %mul3A_328 = arith.constant 8 : i32
        %mul3A_329 = arith.muli %add3A_327, %mul3A_328 : i32
        %dma_start3A_330 = arith.constant 1 : i32
        %dma_start3A_331 = arith.constant 0 : i32
        %dma_start3A_332 = arith.constant 0 : i32
        %dma_start3A_333 = tpu.memref_slice %arg10[%dma_start3A_330, %dma_start3A_331, %dma_start3A_332] : memref<4x8x2048xf32, #tpu.memory_space<vmem>> -> memref<1x8x2048xf32, #tpu.memory_space<vmem>>
        %dma_start3A_334 = tpu.memref_squeeze %dma_start3A_333 : memref<1x8x2048xf32, #tpu.memory_space<vmem>> -> memref<8x2048xf32, #tpu.memory_space<vmem>>
        %dma_start3A_335 = tpu.memref_slice %arg9[%mul3A_329] : memref<512xi32, #tpu.memory_space<vmem>> -> memref<8xi32, #tpu.memory_space<vmem>>
        %dma_start3A_336 = arith.constant 0 : i32
        %dma_start3A_337 = arith.constant 0 : i32
        %dma_start3A_338 = tpu.memref_slice %arg3[%dma_start3A_336, %dma_start3A_337] : memref<151936x2048xf32, #tpu.memory_space<hbm>> -> memref<151936x2048xf32, #tpu.memory_space<hbm>>
        tpu.enqueue_indirect_dma source(%dma_start3A_338 : memref<151936x2048xf32, #tpu.memory_space<hbm>>) target(%dma_start3A_334 : memref<8x2048xf32, #tpu.memory_space<vmem>>) offsets(%dma_start3A_335 : memref<8xi32, #tpu.memory_space<vmem>>) semaphore(%arg13 : memref<!tpu.dma_semaphore, #tpu.memory_space<semaphore_mem>>)
      } else {
      }
      %mul3A_297 = arith.constant 8 : i32
      %mul3A_298 = arith.muli %add3A_279, %mul3A_297 : i32
      %dma_wait3A_299 = arith.constant 3 : i32
      %dma_wait3A_300 = arith.constant 0 : i32
      %dma_wait3A_301 = arith.constant 0 : i32
      %dma_wait3A_302 = tpu.memref_slice %arg10[%dma_wait3A_299, %dma_wait3A_300, %dma_wait3A_301] : memref<4x8x2048xf32, #tpu.memory_space<vmem>> -> memref<1x8x2048xf32, #tpu.memory_space<vmem>>
      %dma_wait3A_303 = tpu.memref_squeeze %dma_wait3A_302 : memref<1x8x2048xf32, #tpu.memory_space<vmem>> -> memref<8x2048xf32, #tpu.memory_space<vmem>>
      %dma_wait3A_304 = tpu.memref_slice %arg9[%mul3A_298] : memref<512xi32, #tpu.memory_space<vmem>> -> memref<8xi32, #tpu.memory_space<vmem>>
      %dma_wait3A_305 = arith.constant 0 : i32
      %dma_wait3A_306 = arith.constant 0 : i32
      %dma_wait3A_307 = tpu.memref_slice %arg3[%dma_wait3A_305, %dma_wait3A_306] : memref<151936x2048xf32, #tpu.memory_space<hbm>> -> memref<151936x2048xf32, #tpu.memory_space<hbm>>
      tpu.wait_indirect_dma semaphore(%arg15 : memref<!tpu.dma_semaphore, #tpu.memory_space<semaphore_mem>>) src(%dma_wait3A_307 : memref<151936x2048xf32, #tpu.memory_space<hbm>>) dst(%dma_wait3A_303 : memref<8x2048xf32, #tpu.memory_space<vmem>>)
      %mul3A_308 = arith.constant 8 : i32
      %mul3A_309 = arith.muli %add3A_279, %mul3A_308 : i32
      %add3A_310 = arith.addi %mul3A_32, %mul3A_309 : i32
      %dma_start3A_311 = arith.constant 3 : i32
      %dma_start3A_312 = arith.constant 0 : i32
      %dma_start3A_313 = arith.constant 0 : i32
      %dma_start3A_314 = tpu.memref_slice %arg10[%dma_start3A_311, %dma_start3A_312, %dma_start3A_313] : memref<4x8x2048xf32, #tpu.memory_space<vmem>> -> memref<1x8x2048xf32, #tpu.memory_space<vmem>>
      %dma_start3A_315 = tpu.memref_squeeze %dma_start3A_314 : memref<1x8x2048xf32, #tpu.memory_space<vmem>> -> memref<8x2048xf32, #tpu.memory_space<vmem>>
      %dma_start3A_316 = arith.constant 0 : i32
      %dma_start3A_317 = tpu.memref_slice %arg5[%select_n3A, %add3A_310, %dma_start3A_316] : memref<4x4096x2048xf32, #tpu.memory_space<hbm>> -> memref<1x8x2048xf32, #tpu.memory_space<hbm>>
      %dma_start3A_318 = tpu.memref_squeeze %dma_start3A_317 : memref<1x8x2048xf32, #tpu.memory_space<hbm>> -> memref<8x2048xf32, #tpu.memory_space<hbm>>
      %dma_start3A_319 = arith.constant 0 : i32
      %dma_start3A_320 = tpu.memref_slice %arg5[%select_n3A, %add3A_310, %dma_start3A_319] : memref<4x4096x2048xf32, #tpu.memory_space<hbm>> -> memref<1x8x2048xf32, #tpu.memory_space<hbm>>
      %dma_start3A_321 = tpu.memref_squeeze %dma_start3A_320 : memref<1x8x2048xf32, #tpu.memory_space<hbm>> -> memref<8x2048xf32, #tpu.memory_space<hbm>>
      %dma_start3A_322 = arith.constant 0 : i32
      %dma_start3A_323 = arith.constant 0 : i32
      %dma_start3A_324 = tpu.memref_slice %arg10[%dma_start3A_311, %dma_start3A_322, %dma_start3A_323] : memref<4x8x2048xf32, #tpu.memory_space<vmem>> -> memref<1x8x2048xf32, #tpu.memory_space<vmem>>
      %dma_start3A_325 = tpu.memref_squeeze %dma_start3A_324 : memref<1x8x2048xf32, #tpu.memory_space<vmem>> -> memref<8x2048xf32, #tpu.memory_space<vmem>>
      tpu.enqueue_dma source(%dma_start3A_325 : memref<8x2048xf32, #tpu.memory_space<vmem>>) target(%dma_start3A_321 : memref<8x2048xf32, #tpu.memory_space<hbm>>) target_semaphore(%arg19 : memref<!tpu.dma_semaphore, #tpu.memory_space<semaphore_mem>>)
    }
    %scan3A_58 = arith.constant 16 : i32
    %add3A_59 = arith.constant 480 : i32
    %add3A_60 = arith.addi %mul3A_32, %add3A_59 : i32
    %dma_wait3A = arith.constant 0 : i32
    %dma_wait3A_61 = arith.constant 0 : i32
    %dma_wait3A_62 = arith.constant 0 : i32
    %dma_wait3A_63 = tpu.memref_slice %arg10[%dma_wait3A, %dma_wait3A_61, %dma_wait3A_62] : memref<4x8x2048xf32, #tpu.memory_space<vmem>> -> memref<1x8x2048xf32, #tpu.memory_space<vmem>>
    %dma_wait3A_64 = tpu.memref_squeeze %dma_wait3A_63 : memref<1x8x2048xf32, #tpu.memory_space<vmem>> -> memref<8x2048xf32, #tpu.memory_space<vmem>>
    %dma_wait3A_65 = arith.constant 0 : i32
    %dma_wait3A_66 = tpu.memref_slice %arg5[%select_n3A, %add3A_60, %dma_wait3A_65] : memref<4x4096x2048xf32, #tpu.memory_space<hbm>> -> memref<1x8x2048xf32, #tpu.memory_space<hbm>>
    %dma_wait3A_67 = tpu.memref_squeeze %dma_wait3A_66 : memref<1x8x2048xf32, #tpu.memory_space<hbm>> -> memref<8x2048xf32, #tpu.memory_space<hbm>>
    %dma_wait3A_68 = arith.constant 0 : i32
    %dma_wait3A_69 = tpu.memref_slice %arg5[%select_n3A, %add3A_60, %dma_wait3A_68] : memref<4x4096x2048xf32, #tpu.memory_space<hbm>> -> memref<1x8x2048xf32, #tpu.memory_space<hbm>>
    %dma_wait3A_70 = tpu.memref_squeeze %dma_wait3A_69 : memref<1x8x2048xf32, #tpu.memory_space<hbm>> -> memref<8x2048xf32, #tpu.memory_space<hbm>>
    %dma_wait3A_71 = arith.constant 0 : i32
    %dma_wait3A_72 = arith.constant 0 : i32
    %dma_wait3A_73 = tpu.memref_slice %arg10[%dma_wait3A, %dma_wait3A_71, %dma_wait3A_72] : memref<4x8x2048xf32, #tpu.memory_space<vmem>> -> memref<1x8x2048xf32, #tpu.memory_space<vmem>>
    %dma_wait3A_74 = tpu.memref_squeeze %dma_wait3A_73 : memref<1x8x2048xf32, #tpu.memory_space<vmem>> -> memref<8x2048xf32, #tpu.memory_space<vmem>>
    tpu.wait_dma2 semaphore(%arg16 : memref<!tpu.dma_semaphore, #tpu.memory_space<semaphore_mem>>) src(%dma_wait3A_74 : memref<8x2048xf32, #tpu.memory_space<vmem>>) dst(%dma_wait3A_70 : memref<8x2048xf32, #tpu.memory_space<hbm>>)
    %add3A_75 = arith.constant 488 : i32
    %add3A_76 = arith.addi %mul3A_32, %add3A_75 : i32
    %dma_wait3A_77 = arith.constant 1 : i32
    %dma_wait3A_78 = arith.constant 0 : i32
    %dma_wait3A_79 = arith.constant 0 : i32
    %dma_wait3A_80 = tpu.memref_slice %arg10[%dma_wait3A_77, %dma_wait3A_78, %dma_wait3A_79] : memref<4x8x2048xf32, #tpu.memory_space<vmem>> -> memref<1x8x2048xf32, #tpu.memory_space<vmem>>
    %dma_wait3A_81 = tpu.memref_squeeze %dma_wait3A_80 : memref<1x8x2048xf32, #tpu.memory_space<vmem>> -> memref<8x2048xf32, #tpu.memory_space<vmem>>
    %dma_wait3A_82 = arith.constant 0 : i32
    %dma_wait3A_83 = tpu.memref_slice %arg5[%select_n3A, %add3A_76, %dma_wait3A_82] : memref<4x4096x2048xf32, #tpu.memory_space<hbm>> -> memref<1x8x2048xf32, #tpu.memory_space<hbm>>
    %dma_wait3A_84 = tpu.memref_squeeze %dma_wait3A_83 : memref<1x8x2048xf32, #tpu.memory_space<hbm>> -> memref<8x2048xf32, #tpu.memory_space<hbm>>
    %dma_wait3A_85 = arith.constant 0 : i32
    %dma_wait3A_86 = tpu.memref_slice %arg5[%select_n3A, %add3A_76, %dma_wait3A_85] : memref<4x4096x2048xf32, #tpu.memory_space<hbm>> -> memref<1x8x2048xf32, #tpu.memory_space<hbm>>
    %dma_wait3A_87 = tpu.memref_squeeze %dma_wait3A_86 : memref<1x8x2048xf32, #tpu.memory_space<hbm>> -> memref<8x2048xf32, #tpu.memory_space<hbm>>
    %dma_wait3A_88 = arith.constant 0 : i32
    %dma_wait3A_89 = arith.constant 0 : i32
    %dma_wait3A_90 = tpu.memref_slice %arg10[%dma_wait3A_77, %dma_wait3A_88, %dma_wait3A_89] : memref<4x8x2048xf32, #tpu.memory_space<vmem>> -> memref<1x8x2048xf32, #tpu.memory_space<vmem>>
    %dma_wait3A_91 = tpu.memref_squeeze %dma_wait3A_90 : memref<1x8x2048xf32, #tpu.memory_space<vmem>> -> memref<8x2048xf32, #tpu.memory_space<vmem>>
    tpu.wait_dma2 semaphore(%arg17 : memref<!tpu.dma_semaphore, #tpu.memory_space<semaphore_mem>>) src(%dma_wait3A_91 : memref<8x2048xf32, #tpu.memory_space<vmem>>) dst(%dma_wait3A_87 : memref<8x2048xf32, #tpu.memory_space<hbm>>)
    %add3A_92 = arith.constant 496 : i32
    %add3A_93 = arith.addi %mul3A_32, %add3A_92 : i32
    %dma_wait3A_94 = arith.constant 2 : i32
    %dma_wait3A_95 = arith.constant 0 : i32
    %dma_wait3A_96 = arith.constant 0 : i32
    %dma_wait3A_97 = tpu.memref_slice %arg10[%dma_wait3A_94, %dma_wait3A_95, %dma_wait3A_96] : memref<4x8x2048xf32, #tpu.memory_space<vmem>> -> memref<1x8x2048xf32, #tpu.memory_space<vmem>>
    %dma_wait3A_98 = tpu.memref_squeeze %dma_wait3A_97 : memref<1x8x2048xf32, #tpu.memory_space<vmem>> -> memref<8x2048xf32, #tpu.memory_space<vmem>>
    %dma_wait3A_99 = arith.constant 0 : i32
    %dma_wait3A_100 = tpu.memref_slice %arg5[%select_n3A, %add3A_93, %dma_wait3A_99] : memref<4x4096x2048xf32, #tpu.memory_space<hbm>> -> memref<1x8x2048xf32, #tpu.memory_space<hbm>>
    %dma_wait3A_101 = tpu.memref_squeeze %dma_wait3A_100 : memref<1x8x2048xf32, #tpu.memory_space<hbm>> -> memref<8x2048xf32, #tpu.memory_space<hbm>>
    %dma_wait3A_102 = arith.constant 0 : i32
    %dma_wait3A_103 = tpu.memref_slice %arg5[%select_n3A, %add3A_93, %dma_wait3A_102] : memref<4x4096x2048xf32, #tpu.memory_space<hbm>> -> memref<1x8x2048xf32, #tpu.memory_space<hbm>>
    %dma_wait3A_104 = tpu.memref_squeeze %dma_wait3A_103 : memref<1x8x2048xf32, #tpu.memory_space<hbm>> -> memref<8x2048xf32, #tpu.memory_space<hbm>>
    %dma_wait3A_105 = arith.constant 0 : i32
    %dma_wait3A_106 = arith.constant 0 : i32
    %dma_wait3A_107 = tpu.memref_slice %arg10[%dma_wait3A_94, %dma_wait3A_105, %dma_wait3A_106] : memref<4x8x2048xf32, #tpu.memory_space<vmem>> -> memref<1x8x2048xf32, #tpu.memory_space<vmem>>
    %dma_wait3A_108 = tpu.memref_squeeze %dma_wait3A_107 : memref<1x8x2048xf32, #tpu.memory_space<vmem>> -> memref<8x2048xf32, #tpu.memory_space<vmem>>
    tpu.wait_dma2 semaphore(%arg18 : memref<!tpu.dma_semaphore, #tpu.memory_space<semaphore_mem>>) src(%dma_wait3A_108 : memref<8x2048xf32, #tpu.memory_space<vmem>>) dst(%dma_wait3A_104 : memref<8x2048xf32, #tpu.memory_space<hbm>>)
    %add3A_109 = arith.constant 504 : i32
    %add3A_110 = arith.addi %mul3A_32, %add3A_109 : i32
    %dma_wait3A_111 = arith.constant 3 : i32
    %dma_wait3A_112 = arith.constant 0 : i32
    %dma_wait3A_113 = arith.constant 0 : i32
    %dma_wait3A_114 = tpu.memref_slice %arg10[%dma_wait3A_111, %dma_wait3A_112, %dma_wait3A_113] : memref<4x8x2048xf32, #tpu.memory_space<vmem>> -> memref<1x8x2048xf32, #tpu.memory_space<vmem>>
    %dma_wait3A_115 = tpu.memref_squeeze %dma_wait3A_114 : memref<1x8x2048xf32, #tpu.memory_space<vmem>> -> memref<8x2048xf32, #tpu.memory_space<vmem>>
    %dma_wait3A_116 = arith.constant 0 : i32
    %dma_wait3A_117 = tpu.memref_slice %arg5[%select_n3A, %add3A_110, %dma_wait3A_116] : memref<4x4096x2048xf32, #tpu.memory_space<hbm>> -> memref<1x8x2048xf32, #tpu.memory_space<hbm>>
    %dma_wait3A_118 = tpu.memref_squeeze %dma_wait3A_117 : memref<1x8x2048xf32, #tpu.memory_space<hbm>> -> memref<8x2048xf32, #tpu.memory_space<hbm>>
    %dma_wait3A_119 = arith.constant 0 : i32
    %dma_wait3A_120 = tpu.memref_slice %arg5[%select_n3A, %add3A_110, %dma_wait3A_119] : memref<4x4096x2048xf32, #tpu.memory_space<hbm>> -> memref<1x8x2048xf32, #tpu.memory_space<hbm>>
    %dma_wait3A_121 = tpu.memref_squeeze %dma_wait3A_120 : memref<1x8x2048xf32, #tpu.memory_space<hbm>> -> memref<8x2048xf32, #tpu.memory_space<hbm>>
    %dma_wait3A_122 = arith.constant 0 : i32
    %dma_wait3A_123 = arith.constant 0 : i32
    %dma_wait3A_124 = tpu.memref_slice %arg10[%dma_wait3A_111, %dma_wait3A_122, %dma_wait3A_123] : memref<4x8x2048xf32, #tpu.memory_space<vmem>> -> memref<1x8x2048xf32, #tpu.memory_space<vmem>>
    %dma_wait3A_125 = tpu.memref_squeeze %dma_wait3A_124 : memref<1x8x2048xf32, #tpu.memory_space<vmem>> -> memref<8x2048xf32, #tpu.memory_space<vmem>>
    tpu.wait_dma2 semaphore(%arg19 : memref<!tpu.dma_semaphore, #tpu.memory_space<semaphore_mem>>) src(%dma_wait3A_125 : memref<8x2048xf32, #tpu.memory_space<vmem>>) dst(%dma_wait3A_121 : memref<8x2048xf32, #tpu.memory_space<hbm>>)
    %add3A_126 = arith.constant 512 : i32
    %add3A_127 = arith.addi %mul3A_32, %add3A_126 : i32
    %sub3A_128 = arith.constant 1 : i32
    %sub3A_129 = arith.subi %add3A_127, %sub3A_128 : i32
    %run_scoped3A = arith.constant 0 : i32
    "tpu.region"() ({
      %run_scoped3A_130 = tpu.sem_alloc : memref<!tpu.dma_semaphore, #tpu.memory_space<semaphore_mem>>
      %dma_start3A_131 = arith.constant 0 : i32
      %dma_start3A_132 = arith.constant 0 : i32
      %dma_start3A_133 = tpu.memref_slice %arg10[%run_scoped3A, %dma_start3A_131, %dma_start3A_132] : memref<4x8x2048xf32, #tpu.memory_space<vmem>> -> memref<1x1x2048xf32, #tpu.memory_space<vmem>>
      %dma_start3A_134 = tpu.memref_squeeze %dma_start3A_133 : memref<1x1x2048xf32, #tpu.memory_space<vmem>> -> memref<1x2048xf32, #tpu.memory_space<vmem>>
      %dma_start3A_135 = arith.constant 0 : i32
      %dma_start3A_136 = tpu.memref_slice %arg5[%select_n3A, %sub3A_129, %dma_start3A_135] : memref<4x4096x2048xf32, #tpu.memory_space<hbm>> -> memref<1x1x2048xf32, #tpu.memory_space<hbm>>
      %dma_start3A_137 = tpu.memref_squeeze %dma_start3A_136 : memref<1x1x2048xf32, #tpu.memory_space<hbm>> -> memref<1x2048xf32, #tpu.memory_space<hbm>>
      %dma_start3A_138 = arith.constant 0 : i32
      %dma_start3A_139 = arith.constant 0 : i32
      %dma_start3A_140 = tpu.memref_slice %arg10[%run_scoped3A, %dma_start3A_138, %dma_start3A_139] : memref<4x8x2048xf32, #tpu.memory_space<vmem>> -> memref<1x1x2048xf32, #tpu.memory_space<vmem>>
      %dma_start3A_141 = tpu.memref_squeeze %dma_start3A_140 : memref<1x1x2048xf32, #tpu.memory_space<vmem>> -> memref<1x2048xf32, #tpu.memory_space<vmem>>
      %dma_start3A_142 = arith.constant 0 : i32
      %dma_start3A_143 = tpu.memref_slice %arg5[%select_n3A, %sub3A_129, %dma_start3A_142] : memref<4x4096x2048xf32, #tpu.memory_space<hbm>> -> memref<1x1x2048xf32, #tpu.memory_space<hbm>>
      %dma_start3A_144 = tpu.memref_squeeze %dma_start3A_143 : memref<1x1x2048xf32, #tpu.memory_space<hbm>> -> memref<1x2048xf32, #tpu.memory_space<hbm>>
      tpu.enqueue_dma source(%dma_start3A_144 : memref<1x2048xf32, #tpu.memory_space<hbm>>) target(%dma_start3A_141 : memref<1x2048xf32, #tpu.memory_space<vmem>>) target_semaphore(%run_scoped3A_130 : memref<!tpu.dma_semaphore, #tpu.memory_space<semaphore_mem>>)
      %dma_wait3A_145 = arith.constant 0 : i32
      %dma_wait3A_146 = arith.constant 0 : i32
      %dma_wait3A_147 = tpu.memref_slice %arg10[%run_scoped3A, %dma_wait3A_145, %dma_wait3A_146] : memref<4x8x2048xf32, #tpu.memory_space<vmem>> -> memref<1x1x2048xf32, #tpu.memory_space<vmem>>
      %dma_wait3A_148 = tpu.memref_squeeze %dma_wait3A_147 : memref<1x1x2048xf32, #tpu.memory_space<vmem>> -> memref<1x2048xf32, #tpu.memory_space<vmem>>
      %dma_wait3A_149 = arith.constant 0 : i32
      %dma_wait3A_150 = tpu.memref_slice %arg5[%select_n3A, %sub3A_129, %dma_wait3A_149] : memref<4x4096x2048xf32, #tpu.memory_space<hbm>> -> memref<1x1x2048xf32, #tpu.memory_space<hbm>>
      %dma_wait3A_151 = tpu.memref_squeeze %dma_wait3A_150 : memref<1x1x2048xf32, #tpu.memory_space<hbm>> -> memref<1x2048xf32, #tpu.memory_space<hbm>>
      %dma_wait3A_152 = arith.constant 0 : i32
      %dma_wait3A_153 = arith.constant 0 : i32
      %dma_wait3A_154 = tpu.memref_slice %arg10[%run_scoped3A, %dma_wait3A_152, %dma_wait3A_153] : memref<4x8x2048xf32, #tpu.memory_space<vmem>> -> memref<1x1x2048xf32, #tpu.memory_space<vmem>>
      %dma_wait3A_155 = tpu.memref_squeeze %dma_wait3A_154 : memref<1x1x2048xf32, #tpu.memory_space<vmem>> -> memref<1x2048xf32, #tpu.memory_space<vmem>>
      %dma_wait3A_156 = arith.constant 0 : i32
      %dma_wait3A_157 = tpu.memref_slice %arg5[%select_n3A, %sub3A_129, %dma_wait3A_156] : memref<4x4096x2048xf32, #tpu.memory_space<hbm>> -> memref<1x1x2048xf32, #tpu.memory_space<hbm>>
      %dma_wait3A_158 = tpu.memref_squeeze %dma_wait3A_157 : memref<1x1x2048xf32, #tpu.memory_space<hbm>> -> memref<1x2048xf32, #tpu.memory_space<hbm>>
      tpu.wait_dma2 semaphore(%run_scoped3A_130 : memref<!tpu.dma_semaphore, #tpu.memory_space<semaphore_mem>>) src(%dma_wait3A_158 : memref<1x2048xf32, #tpu.memory_space<hbm>>) dst(%dma_wait3A_155 : memref<1x2048xf32, #tpu.memory_space<vmem>>)
      tpu.yield
    }) : () -> ()
    return
  }
}

</mosaic_0001>

<sc_bundles>
// kernel: kernel.3.cloned.1.call-start
scs
__scs_entry_jumppad:
0x0: {  	(pc) =	sbr.rel $0x88, $3  }
0x1: {  	(tag) =	ssettag $0x0;
	lr =	simm.s32 $0x1  }
0x2: {  	[smem:$0x3F9E] =	sst lr;
	_ =	strace $0xD0000000  }
0x3: {  	_ = 	snop  }
0x4: {  	_ = 	snop  }
0x5: {  	_ = 	snop  }
0x6: {  	_ = 	snop  }
0x7: {  	_ = 	snop  }
__scs_overlays_trampoline_lowered:
0x8: {  	[smem:$0x3FAD] =	sst s0  }
0x9: {  	[smem:$0x3FAE] =	sst s1  }
0xa: {  	[smem:$0x3FAF] =	sst s2  }
0xb: {  	[smem:$0x3FB0] =	sst s3  }
0xc: {  	[smem:$0x3FB1] =	sst s4  }
0xd: {  	[smem:$0x3FB2] =	sst s5  }
0xe: {  	[smem:$0x3FB3] =	sst s6  }
0xf: {  	[smem:$0x3FB4] =	sst s7  }
0x10: {  	[smem:$0x3FB5] =	sst s8  }
0x11: {  	[smem:$0x3FB6] =	sst s9;
	s0 =	simm.s32 @!p0 $0x0  }
0x12: {  	s1 =	sld [smem:$0x3F9C];
	s0 =	simm.s32 @p0 $0x1  }
0x13: {  	[smem:$0x3FB7] =	sst s0;
	s0 =	simm.s32 @!p1 $0x0  }
0x14: {  	s2 =	sld [smem:$0x3F9B];
	s0 =	simm.s32 @p1 $0x1  }
0x15: {  	[smem:$0x3FB8] =	sst s0;
	s0 =	simm.s32 @!p2 $0x0  }
0x16: {  	s3 =	sld [smem:$0x3FDB];
	s0 =	simm.s32 @p2 $0x1  }
0x17: {  	s4 =	simm.s32 $0x1BF5;
	[smem:$0x3FBA] =	sst s0  }
0x18: {  	s0 =	sld [smem:$0x3F9D];
	_ =	swait.ge [sflag:s4], $0x0  }
0x19: {  	s7 =	sld [smem:$0x3F9E]  }
0x1a: {  	s8 =	sadd.s32 $0xFFFFE003, lr  }
0x1b: {  	s9 =	sadd.s32 $0xFFFFFEF7, lr;
	s5 =	simm.s32 $0xFFFFFFFF;
	p2 =	slt.u32 s8, $0xFFFFF086  }
0x1c: {  	p1 =	slt.u32 s9, $0xF7A;
	s5 =	simm.s32 @!p2 $0x0  }
0x1d: {  	s5 =	simm.s32 @p1 $0x1;
	p0 =	seq.s32 s7, s2  }
0x1e: {  	s7 =	smul.u32 @!p0 $0xF7A, s2;
	p2 =	seq.s32 @!p0 s5, $0x0  }
0x1f: {  	s9 =	smul.u32 $0xF7A, s1;
	s8 =	simm.s32 @!p0 $0x1BF5;
	p2 =	por !p2, p0  }
0x20: {  	[sflag:s8] =	ssyncset.s32 @!p0 $0xFFFFF086;
	s6 =	sadd.s32 @!p0 s3, s7;
	s7 =	simm.s32 @!p0 $0x108  }
0x21: {  	s3 =	sadd.s32 s3, s9;
	s6 =	sadd.s32 @!p0 $0x88, s6;
	s7 =	simm.s32 @p2 $0x1082  }
0x22: {  	[simem:s7], [sflag:s8] =	dma.local @!p0 [hbm:s6], $0xF7A  }
0x23: {  	s9 =	sor.u32 $0xD0000000, s2;
	s6 =	simm.s32 $0x108;
	_ =	swait.ge @!p0 [sflag:s8], $0x0  }
0x24: {  	s3 =	sadd.s32 $0x88, s3;
	s6 =	simm.s32 @!p1 $0x1082;
	[sflag:s4] =	ssyncset.s32 $0xFFFFF086  }
0x25: {  	[simem:s6], [sflag:s4] =	dma.local [hbm:s3], $0xF7A  }
0x26: {  	[smem:$0x3F9E] =	sst s1;
	(tag) =	ssettag s2;
	_ =	strace s9  }
0x27: {  	s1 =	sld [smem:$0x3FAE]  }
0x28: {  	s2 =	sld [smem:$0x3FAF]  }
0x29: {  	s4 =	sld [smem:$0x3FB1]  }
0x2a: {  	p0 =	seq.s32 s5, $0x0;
	s5 =	sld [smem:$0x3FB2]  }
0x2b: {  	s6 =	sld [smem:$0x3FB3]  }
0x2c: {  	s7 =	sld [smem:$0x3FB4]  }
0x2d: {  	s3 =	simm.s32 $0x108;
	s8 =	sld [smem:$0x3FB5]  }
0x2e: {  	s3 =	simm.s32 @!p0 $0x1082;
	s9 =	sld [smem:$0x3FB6]  }
0x2f: {  	lr =	sadd.s32 s0, s3;
	s0 =	sld [smem:$0x3FAD]  }
0x30: {  	s3 =	sld [smem:$0x3FB0]  }
0x31: {  	[smem:$0x3FB9] =	sst s10  }
0x32: {  	s10 =	sld [smem:$0x3FB7];
	_ =	sdelay $0x3  }
0x33: {  	p0 =	seq.s32 s10, $0x1;
	s10 =	sld [smem:$0x3FB9];
	_ =	sdelay $0x3  }
0x34: {  	[smem:$0x3FB9] =	sst s10  }
0x35: {  	s10 =	sld [smem:$0x3FB8];
	_ =	sdelay $0x3  }
0x36: {  	p1 =	seq.s32 s10, $0x1;
	s10 =	sld [smem:$0x3FB9];
	_ =	sdelay $0x3  }
0x37: {  	[smem:$0x3FB9] =	sst s10  }
0x38: {  	s10 =	sld [smem:$0x3FBA]  }
0x39: {  	_ = 	snop;
	(pc) =	sbr.ind lr, $3  }
0x3a: {  	_ = 	snop  }
0x3b: {  	_ = 	snop  }
0x3c: {  	p2 =	seq.s32 s10, $0x1;
	s10 =	sld [smem:$0x3FB9]  }
0x3d: {  	_ =	shalt  }
0x3e: {  	_ =	shalt  }
0x3f: {  	_ =	shalt  }
0x40: {  	_ =	shalt  }
0x41: {  	_ =	shalt  }
0x42: {  	_ =	shalt  }
0x43: {  	_ =	shalt  }
0x44: {  	_ =	shalt  }
0x45: {  	_ =	shalt  }
0x46: {  	_ =	shalt  }
0x47: {  	_ =	shalt  }
0x48: {  	_ =	shalt  }
0x49: {  	_ =	shalt  }
0x4a: {  	_ =	shalt  }
0x4b: {  	_ =	shalt  }
0x4c: {  	_ =	shalt  }
0x4d: {  	_ =	shalt  }
0x4e: {  	_ =	shalt  }
0x4f: {  	_ =	shalt  }
0x50: {  	_ =	shalt  }
0x51: {  	_ =	shalt  }
0x52: {  	_ =	shalt  }
0x53: {  	_ =	shalt  }
0x54: {  	_ =	shalt  }
0x55: {  	_ =	shalt  }
0x56: {  	_ =	shalt  }
0x57: {  	_ =	shalt  }
0x58: {  	_ =	shalt  }
0x59: {  	_ =	shalt  }
0x5a: {  	_ =	shalt  }
0x5b: {  	_ =	shalt  }
0x5c: {  	_ =	shalt  }
0x5d: {  	_ =	shalt  }
0x5e: {  	_ =	shalt  }
0x5f: {  	_ =	shalt  }
0x60: {  	_ =	shalt  }
0x61: {  	_ =	shalt  }
0x62: {  	_ =	shalt  }
0x63: {  	_ =	shalt  }
0x64: {  	_ =	shalt  }
0x65: {  	_ =	shalt  }
0x66: {  	_ =	shalt  }
0x67: {  	_ =	shalt  }
0x68: {  	_ =	shalt  }
0x69: {  	_ =	shalt  }
0x6a: {  	_ =	shalt  }
0x6b: {  	_ =	shalt  }
0x6c: {  	_ =	shalt  }
0x6d: {  	_ =	shalt  }
0x6e: {  	_ =	shalt  }
0x6f: {  	_ =	shalt  }
0x70: {  	_ =	shalt  }
0x71: {  	_ =	shalt  }
0x72: {  	_ =	shalt  }
0x73: {  	_ =	shalt  }
0x74: {  	_ =	shalt  }
0x75: {  	_ =	shalt  }
0x76: {  	_ =	shalt  }
0x77: {  	_ =	shalt  }
0x78: {  	_ =	shalt  }
0x79: {  	_ =	shalt  }
0x7a: {  	_ =	shalt  }
0x7b: {  	_ =	shalt  }
0x7c: {  	_ =	shalt  }
0x7d: {  	_ =	shalt  }
0x7e: {  	_ =	shalt  }
0x7f: {  	_ =	shalt  }
0x80: {  	_ =	shalt  }
0x81: {  	_ =	shalt  }
0x82: {  	_ =	shalt  }
0x83: {  	_ =	shalt  }
0x84: {  	_ =	shalt  }
0x85: {  	_ =	shalt  }
0x86: {  	_ =	shalt  }
0x87: {  	_ =	shalt  }
.Lfunc_end0:
.L_simem_size_0:
called_computation_lowered:
.L_overlay_start_0:
0x88: {  	s2 =	sld [smem:$0x3FD9]  }
0x89: {  	s3 =	sld [smem:$0x3FFE];
	_ =	sdelay $0x1  }
0x8a: {  	s1 =	srdreg.scid  }
0x8b: {  	s0 =	sand.u32 $0x1, s1  }
0x8c: {  	s15 =	sshll.u32 s0, $0xA;
	s2 =	sadd.s32 s3, s2  }
0x8d: {  	s2 =	sadd.s32 s2, s15  }
0x8e: {  	[smem:$0x3FC5] =	sst s2  }
0x8f: {  	_ = 	snop  }
0x90: {  	s2 =	sld [smem:$0x3FD0]  }
0x91: {  	s16 =	sld [smem:$0x3FC9]  }
0x92: {  	s4 =	sld [smem:$0x3FC8]  }
0x93: {  	s6 =	simm.s32 $0xA;
	s7 =	simm.s32 $0x10;
	s5 =	sld [smem:$0x3FC7]  }
0x94: {  	[smem:s7], [sflag:s6] =	dma.local [hbm:s2], $0x1  }
0x95: {  	_ =	swait.eq [sflag:s6], $0x1  }
0x96: {  	s17 =	sld [smem:$0x10]  }
0x97: {  	s18 =	sld [smem:$0x11];
	[sflag:s6] =	ssyncset.done $0x0  }
0x98: {  	s8 =	sld [smem:$0x12];
	[sflag:s6] =	ssyncadd.s32 $0xFFFFFFFF  }
0x99: {  	s19 =	sld [smem:$0x13];
	(tm) =	ssettm $0x1  }
0x9a: {  	s9 =	sld [smem:$0x3FFB];
	_ =	sdelay $0x3  }
0x9b: {  	_ =	strace s9  }
0x9c: {  	s9 =	sld [smem:$0x3FFC];
	_ =	sdelay $0x3  }
0x9d: {  	_ =	strace s9  }
0x9e: {  	s9 =	sld [smem:$0x3FFD];
	_ =	sdelay $0x3  }
0x9f: {  	_ =	strace s9  }
0xa0: {  	_ =	strace $0x8FFFFFFF  }
0xa1: {  	s20 =	sld [smem:$0x3FDB];
	_ =	sdelay $0x1  }
0xa2: {  	s10 =	simm.s32 $_scs_section_size  }
0xa3: {  	s11 =	simm.s32 $_size__tile_overlayer_lowered;
	s12 =	simm.s32 $_tile_overlayer_lowered  }
0xa4: {  	s23 =	simm.s32 $0x1BFF;
	s22 =	sshll.u32 s12, $0x1;
	s9 =	sadd.s32 s10, s20  }
0xa5: {  	s13 =	simm.s32 $0x0;
	s21 =	sshll.u32 s11, $0x1;
	s11 =	sadd.s32 s22, s9  }
0xa6: {  	[timem:s13], [sflag:s23] =	dma.local [hbm:s11], s21  }
0xa7: {  	_ =	swait.ge [sflag:s23], s21  }
0xa8: {  	s10 =	ssub.s32 $0x0, s21;
	[sflag:s23] =	ssyncset.done $0x0  }
0xa9: {  	[sflag:s23] =	ssyncadd.s32 s10;
	_ =	sdelay $0x1  }
0xaa: {  	s24 =	simm.s32 $0x1B8B  }
0xab: {  	_ =	swait.ge [sflag:s24], $0x1  }
0xac: {  	[sflag:s24] =	ssyncset.done $0x0  }
0xad: {  	s25 =	simm.s32 $0x1B8E;
	[sflag:s24] =	ssyncadd.s32 $0xFFFFFFFF  }
0xae: {  	s26 =	simm.s32 $execute0_lowered;
	[smem:$0x3FD2] =	sst s25  }
0xaf: {  	s10 =	sshll.u32 s26, $0x1;
	_ =	strace $0x80000046;
	[dreg:$0x1] =	wrdreg $0xFFFFFFFF  }
0xb0: {  	s28 =	simm.s32 $_size_execute0_lowered;
	s9 =	sadd.s32 s9, s10;
	[dreg:$0x0] =	wrdreg $0x0  }
0xb1: {  	s10 =	sshll.u32 s28, $0x1;
	[dreg:$0x2] =	wrdreg s9  }
0xb2: {  	[dreg:$0x3] =	wrdreg s10  }
0xb3: {  	[dreg:$0x4] =	wrdreg $0xC0  }
0xb4: {  	_ =	task [dreg:s13], $0x5FFFF  }
0xb5: {  	[dreg:$0x1] =	wrdreg $0xFFFFFFFF  }
0xb6: {  	[dreg:$0x0] =	wrdreg $0x60  }
0xb7: {  	[dreg:$0x2] =	wrdreg s16  }
0xb8: {  	[dreg:$0x3] =	wrdreg s5  }
0xb9: {  	[dreg:$0x4] =	wrdreg s4  }
0xba: {  	[dreg:$0x5] =	wrdreg s17  }
0xbb: {  	[dreg:$0x6] =	wrdreg s18  }
0xbc: {  	[dreg:$0x7] =	wrdreg s8  }
0xbd: {  	[dreg:$0x8] =	wrdreg s19  }
0xbe: {  	[dreg:$0x9] =	wrdreg $0x9  }
0xbf: {  	_ =	task.clear_ibuf [dreg:s13], $0xAFFFF;
	_ =	strace $0x90000046  }
0xc0: {  	s29 =	simm.s32 $0x9;
	_ =	strace $0x80000048  }
0xc1: {  	_ =	swait.ge [sflag:s29], $0x1  }
0xc2: {  	[sflag:s29] =	ssyncadd.s32 $0xFFFFFFFF  }
0xc3: {  	_ =	strace $0x90000048  }
0xc4: {  	_ =	sfence  }
0xc5: {  	s30 =	sld [smem:$0x0];
	_ =	sdelay $0x2  }
0xc6: {  	s31 =	sshll.u32 s1, $0xD;
	s1 =	sshrl.u32 s1, $0x2  }
0xc7: {  	s3 =	sand.u32 $0x4000, s31;
	s1 =	sadd.s32 s1, s30  }
0xc8: {  	s0 =	sor.u32 s3, s0;
	s1 =	sshll.u32 s1, $0x11  }
0xc9: {  	s0 =	sor.u32 s1, s0  }
0xca: {  	s0 =	sadd.s32 $0x8F2B, s0  }
0xcb: {  	[sflag:s0] =	ssyncadd.remote.s32 $0x1  }
0xcc: {  	_ =	sfence.sel $0xFFFF  }
0xcd: {  	[dreg:$0x0] =	wrdreg $0xFFFFFFFF;
	(pc) =	sbr.abs _section_cstart, $3  }
0xce: {  	[dreg:$0x1] =	wrdreg $0xFFFFFFFF  }
0xcf: {  	_ =	task.clear_ibuf [dreg:s13], $0x2FFFF;
	_ =	strace $0x9FFFFFFF  }
0xd0: {  	(tm) =	ssettm $0x7FFFFFFF  }
0xd1: {  	_ =	shalt  }
tec
execute0_lowered:
.L_overlay_start_1:
0x0: {  	(tag) =	ssettag $0x1  }
0x1: {  	s2 =	rddreg [dreg:$0x0]  }
0x2: {  	s0 =	rddreg [dreg:$0x1]  }
0x3: {  	s4 =	rddreg [dreg:$0x2]  }
0x4: {  	s12 =	rddreg [dreg:$0x3]  }
0x5: {  	s13 =	rddreg [dreg:$0x4]  }
0x6: {  	s14 =	rddreg [dreg:$0x5]  }
0x7: {  	s15 =	rddreg [dreg:$0x6]  }
0x8: {  	s9 =	stileid.u32;
	s1 =	srdreg.scid  }
0x9: {  	s3 =	simm.s32 $0x0;
	s28 =	simm.s32 $0x1A00;
	s29 =	simm.s32 $0x2200  }
0xa: {  	s30 =	simm.s32 $0x4200;
	s31 =	simm.s32 $0xC200;
	s5 =	sshll.u32 s9, $0x1  }
0xb: {  	s17 =	sand.u32 $0x1, s1;
	[smem:$0x7FF] =	sst s3;
	s1 =	sshrl.u32 s9, $0x2  }
0xc: {  	s5 =	sand.u32 $0x6, s5;
	s25 =	ssub.s32 $0x2, s17;
	s7 =	sshll.u32 s1, $0x4  }
0xd: {  	_ =	strace $0x80000047;
	s10 =	sshll.u32 s1, $0x17;
	s21 =	sshll.u32 s17, $0x14  }
0xe: {  	s23 =	sshll.u32 s1, $0x14;
	p0 =	sne.s32 s1, $0x0;
	s16 =	sor.u32 s17, s5  }
0xf: {  	s1 =	simm.s32 $0x2;
	s8 =	sshrl.u32 s25, $0x1;
	s6 =	sshll.u32 s16, $0x8  }
0x10: {  	s5 =	sadd.s32 $0x100, s0;
	s19 =	ssub.s32 s25, s8;
	s18 =	sor.u32 s7, s6  }
0x11: {  	s8 =	sadd.s32 $0x400, s0;
	s26 =	sshll.u32 s16, $0x6;
	s2 =	sadd.s32 s2, s18  }
0x12: {  	s16 =	sshll.u32 s16, $0x11;
	s4 =	sadd.s32 s4, s18;
	[dreg:$0x1a] =	wrdreg s2  }
0x13: {  	s6 =	sadd.s32 $0x200, s0;
	s13 =	sadd.s32 s13, s18;
	[dreg:$0x1b] =	wrdreg s4  }
0x14: {  	s7 =	sadd.s32 $0x300, s0;
	s18 =	sadd.s32 s15, s26;
	[dreg:$0x1c] =	wrdreg s13  }
0x15: {  	s2 =	sand.u32 $0x3, s9;
	[dreg:$0x1d] =	wrdreg s18;
	s4 =	sadd.s32 s14, s26  }
0x16: {  	s9 =	sadd.s32 $0x500, s0;
	s11 =	sshll.u32 s2, $0x15;
	[dreg:$0x1e] =	wrdreg s4  }
0x17: {  	s4 =	sadd.s32 s23, s12;
	s23 =	smax.u32 s19, $0x1;
	s2 =	sshll.u32 s2, $0xA  }
0x18: {  	s19 =	simm.s32 $0xE200;
	s20 =	sor.u32 s11, s10;
	[dreg:$0x1f] =	wrdreg s23  }
0x19: {  	s10 =	sadd.s32 $0x600, s0;
	[dreg:$0x16] =	wrdreg s19;
	s23 =	simm.s32 $0xF200  }
0x1a: {  	s11 =	sadd.s32 $0x700, s0;
	s20 =	sor.u32 s21, s20;
	[dreg:$0x18] =	wrdreg s23  }
0x1b: {  	s21 =	sor.u32 $0x4000, s20;
	s24 =	sshrl.u32 s20, $0x3;
	s25 =	sor.u32 $0xC000, s20  }
0x1c: {  	s26 =	sor.u32 $0x8000, s20;
	s20 =	simm.s32 $0x8A00;
	s22 =	sshrl.u32 s21, $0x3  }
0x1d: {  	s14 =	sshrl.u32 s25, $0x3;
	[dreg:$0xc] =	wrdreg s20;
	s21 =	simm.s32 $0x9200  }
0x1e: {  	s15 =	sshrl.u32 s26, $0x3;
	s25 =	simm.s32 $0xAA00;
	[dreg:$0xd] =	wrdreg s21  }
0x1f: {  	s26 =	sshll.u32 s17, $0x9;
	s17 =	simm.s32 $0xD200;
	[dreg:$0x10] =	wrdreg s25  }
0x20: {  	s4 =	sadd.s32 s16, s4;
	s13 =	sadd.s32 s22, s12;
	[dreg:$0x14] =	wrdreg s17  }
0x21: {  	s19 =	simm.s32 $0x2A00;
	s14 =	sadd.s32 s14, s12;
	[dreg:$0x8] =	wrdreg s13  }
0x22: {  	s16 =	sadd.s32 $0x1F870, s4;
	s18 =	sadd.s32 s15, s12;
	[dreg:$0xa] =	wrdreg s14  }
0x23: {  	s4 =	simm.s32 $0x4;
	s22 =	simm.s32 $0x9A00;
	[dreg:$0xb] =	wrdreg s18  }
0x24: {  	s23 =	simm.s32 $0x0;
	s2 =	sor.u32 s26, s2;
	[dreg:$0xe] =	wrdreg s22  }
0x25: {  	s20 =	simm.s32 $0x200;
	s15 =	simm.s32 $0xCA00;
	[smem:$0x7FD] =	sst s2  }
0x26: {  	s21 =	simm.s32 $0x9;
	s13 =	sadd.s32 s24, s12;
	[dreg:$0x13] =	wrdreg s15  }
0x27: {  	s25 =	simm.s32 $0xA00;
	s24 =	simm.s32 $0xA200;
	[dreg:$0x9] =	wrdreg s13  }
0x28: {  	s26 =	simm.s32 $0x1200;
	s14 =	simm.s32 $0xBA00;
	[dreg:$0xf] =	wrdreg s24  }
0x29: {  	s17 =	simm.s32 $0x7;
	s18 =	simm.s32 $0xDA00;
	[dreg:$0x12] =	wrdreg s14  }
0x2a: {  	s22 =	simm.s32 $0xEA00;
	s15 =	simm.s32 $0x1;
	[dreg:$0x15] =	wrdreg s18  }
0x2b: {  	v0 =	vlaneseq.u32;
	s13 =	simm.s32 $0xB200;
	[dreg:$0x17] =	wrdreg s22;
	s24 =	simm.s32 $0xFA00  }
0x2c: {  	v2 =	vshrl.u32 v0, $0x3;
	s14 =	simm.s32 $0x8200;
	s18 =	simm.s32 $0x3;
	[dreg:$0x11] =	wrdreg s13  }
0x2d: {  	vm0 =	vmmov $0xffff;
	v1 =	vand.u32 $0x7, v0;
	v2 =	vmul.u32 $0x8, v2;
	s22 =	simm.s32 $0x8;
	[dreg:$0x19] =	wrdreg s24;
	s13 =	simm.s32 $0x6  }
.LBB2_1:
0x2e: {  	s24 =	rddreg [dreg:$0x1a];
	s2 =	simm.s32 $0x80  }
0x2f: {  	[tilespmem:s3], [sflag:$0x9] =	stream.strided.gather [hbm4b:s24+s2], $0x200, s20, s2, $0x38;
	[tilespmem:$0x10400] =	vst v63  }
0x30: {  	_ =	swait.ge [sflag:s21], $0x200  }
0x31: {  	[sflag:s21] =	ssyncset.done $0x0  }
0x32: {  	[sflag:s21] =	ssyncadd.s32 $0xFFFFFE00  }
0x33: {  	v3 =	vld.msk [tilespmem:$0x0], $0xff;
	_ =	sdelay $0x4  }
0x34: {  	v4 =	vshll.u32 v3, $0x4  }
0x35: {  	v3 =	vand.u32 $0x7, v3;
	v4 =	vand.u32 $0xFFFFFF80, v4  }
0x36: {  	v3 =	vor.u32 v3, v4  }
0x37: {  	v3 =	vperm.xlane v3, v1;
	_ =	sdelay $0x1  }
0x38: {  	v3 =	vadd.s32 v2, v3;
	_ =	sdelay $0x4  }
0x39: {  	[tilespmem:s20], [sflag:$0x1] =	stream.indirect_vreg.gather [hbm4b:s0+s3], $0x80, v3, vm0, $0xb8;
	[tilespmem:$0x10400] =	vst v63  }
0x3a: {  	_ = 	snop  }
0x3b: {  	[tilespmem:s25], [sflag:$0x1] =	stream.indirect_vreg.gather [hbm4b:s5+s3], $0x80, v3, vm0, $0xb8;
	[tilespmem:$0x10400] =	vst v63  }
0x3c: {  	_ = 	snop  }
0x3d: {  	[tilespmem:s26], [sflag:$0x1] =	stream.indirect_vreg.gather [hbm4b:s6+s3], $0x80, v3, vm0, $0xb8;
	[tilespmem:$0x10400] =	vst v63  }
0x3e: {  	_ = 	snop  }
0x3f: {  	[tilespmem:s28], [sflag:$0x1] =	stream.indirect_vreg.gather [hbm4b:s7+s3], $0x80, v3, vm0, $0xb8;
	[tilespmem:$0x10400] =	vst v63  }
0x40: {  	_ = 	snop  }
0x41: {  	[tilespmem:s29], [sflag:$0x1] =	stream.indirect_vreg.gather [hbm4b:s8+s3], $0x80, v3, vm0, $0xb8;
	[tilespmem:$0x10400] =	vst v63  }
0x42: {  	_ = 	snop  }
0x43: {  	[tilespmem:s19], [sflag:$0x1] =	stream.indirect_vreg.gather [hbm4b:s9+s3], $0x80, v3, vm0, $0xb8;
	[tilespmem:$0x10400] =	vst v63  }
0x44: {  	s12 =	simm.s32 $0x3200  }
0x45: {  	[tilespmem:s12], [sflag:$0x1] =	stream.indirect_vreg.gather [hbm4b:s10+s3], $0x80, v3, vm0, $0xb8;
	[tilespmem:$0x10400] =	vst v63  }
0x46: {  	s12 =	simm.s32 $0x3A00  }
0x47: {  	[tilespmem:s12], [sflag:$0x1] =	stream.indirect_vreg.gather [hbm4b:s11+s3], $0x80, v3, vm0, $0xb8;
	[tilespmem:$0x10400] =	vst v63  }
0x48: {  	v3 =	vld.msk [tilespmem:$0x8], $0xff;
	_ =	sdelay $0x4  }
0x49: {  	v63 =	vshll.u32 v3, $0x4  }
0x4a: {  	v3 =	vand.u32 $0x7, v3;
	v4 =	vand.u32 $0xFFFFFF80, v63  }
0x4b: {  	v3 =	vor.u32 v3, v4  }
0x4c: {  	v3 =	vperm.xlane v3, v1;
	_ =	sdelay $0x1  }
0x4d: {  	v3 =	vadd.s32 v2, v3;
	_ =	sdelay $0x4  }
0x4e: {  	[tilespmem:s30], [sflag:$0x2] =	stream.indirect_vreg.gather [hbm4b:s0+s3], $0x80, v3, vm0, $0xb8;
	[tilespmem:$0x10400] =	vst v63  }
0x4f: {  	s24 =	simm.s32 $0x4A00  }
0x50: {  	[tilespmem:s24], [sflag:$0x2] =	stream.indirect_vreg.gather [hbm4b:s5+s3], $0x80, v3, vm0, $0xb8;
	[tilespmem:$0x10400] =	vst v63  }
0x51: {  	s25 =	simm.s32 $0x5200  }
0x52: {  	[tilespmem:s25], [sflag:$0x2] =	stream.indirect_vreg.gather [hbm4b:s6+s3], $0x80, v3, vm0, $0xb8;
	[tilespmem:$0x10400] =	vst v63  }
0x53: {  	s26 =	simm.s32 $0x5A00  }
0x54: {  	[tilespmem:s26], [sflag:$0x2] =	stream.indirect_vreg.gather [hbm4b:s7+s3], $0x80, v3, vm0, $0xb8;
	[tilespmem:$0x10400] =	vst v63  }
0x55: {  	s28 =	simm.s32 $0x6200  }
0x56: {  	[tilespmem:s28], [sflag:$0x2] =	stream.indirect_vreg.gather [hbm4b:s8+s3], $0x80, v3, vm0, $0xb8;
	[tilespmem:$0x10400] =	vst v63  }
0x57: {  	s29 =	simm.s32 $0x6A00  }
0x58: {  	[tilespmem:s29], [sflag:$0x2] =	stream.indirect_vreg.gather [hbm4b:s9+s3], $0x80, v3, vm0, $0xb8;
	[tilespmem:$0x10400] =	vst v63  }
0x59: {  	s24 =	simm.s32 $0x7200  }
0x5a: {  	[tilespmem:s24], [sflag:$0x2] =	stream.indirect_vreg.gather [hbm4b:s10+s3], $0x80, v3, vm0, $0xb8;
	[tilespmem:$0x10400] =	vst v63  }
0x5b: {  	s25 =	simm.s32 $0x7A00  }
0x5c: {  	[tilespmem:s25], [sflag:$0x2] =	stream.indirect_vreg.gather [hbm4b:s11+s3], $0x80, v3, vm0, $0xb8;
	[tilespmem:$0x10400] =	vst v63  }
0x5d: {  	s26 =	rddreg [dreg:$0x1b];
	s28 =	simm.s32 $0x10200  }
0x5e: {  	[tilespmem:s28], [sflag:$0x9] =	stream.strided.gather [hbm4b:s26+s2], $0x200, s20, s2, $0x38;
	[tilespmem:$0x10400] =	vst v63  }
0x5f: {  	_ =	swait.ge [sflag:s21], $0x200  }
0x60: {  	[sflag:s21] =	ssyncset.done $0x0  }
.Ltmp0:
0x61: {  	s29 =	rddreg [dreg:$0x1c];
	[sflag:s21] =	ssyncadd.s32 $0xFFFFFE00;
	(pc) =	sbr.rel @p0 .LBB2_5-.Ltmp0, $4  }
0x62: {  	[hbm4b:s29+s2] =	stream.strided.scatter [tilespmem:s28], [sflag:$0x9], $0x200, s20, s2, $0x38;
	[tilespmem:$0x10400] =	vst v63  }
0x63: {  	_ =	swait.ge [sflag:s21], $0x200  }
0x64: {  	[sflag:s21] =	ssyncset.done $0x0  }
0x65: {  	[sflag:s21] =	ssyncadd.s32 $0xFFFFFE00  }
0x66: {  	s25 =	sld [smem:$0x7FD];
	_ =	sdelay $0x2  }
0x67: {  	s24 =	simm.s32 $0x40;
	s26 =	simm.s32 $0x0;
	v3 =	vor.u32 s25, v0  }
.LBB2_3:
0x68: {  	p1 =	sne.s32 s24, $0x7C0  }
0x69: {  	[tilespmem:s26+$0x10200] =	vst v3;
	s25 =	sadd.s32 $0x10, s25;
	s26 =	smov.u32 s24;
	s24 =	sadd.s32 $0x40, s24  }
.Ltmp1:
0x6a: {  	(pc) =	sbr.rel @p1 .LBB2_3-.Ltmp1, $2  }
0x6b: {  	_ =	sdelay $0x2  }
0x6c: {  	v3 =	vor.u32 s25, v0;
	s26 =	sshra.s32 s26, $0x2  }
0x6d: {  	[tilespmem:s26+$0x10200] =	vst v3;
	s24 =	rddreg [dreg:$0x1d];
	s2 =	simm.s32 $0x10200  }
0x6e: {  	[hbm4b:s24+s3] =	stream.linear.scatter [tilespmem:s2], [sflag:$0x9], $0x200, $0x38;
	[tilespmem:$0x10400] =	vst v63  }
0x6f: {  	_ =	swait.ge [sflag:s21], $0x200  }
0x70: {  	[sflag:s21] =	ssyncset.done $0x0  }
0x71: {  	s29 =	rddreg [dreg:$0x1e];
	[sflag:s21] =	ssyncadd.s32 $0xFFFFFE00  }
0x72: {  	[hbm4b:s29+s3] =	stream.linear.scatter [tilespmem:s2], [sflag:$0x9], $0x200, $0x38;
	[tilespmem:$0x10400] =	vst v63  }
0x73: {  	_ =	swait.ge [sflag:s21], $0x200  }
0x74: {  	[sflag:s21] =	ssyncset.done $0x0  }
0x75: {  	[sflag:s21] =	ssyncadd.s32 $0xFFFFFE00  }
.LBB2_5:
0x76: {  	s24 =	simm.s32 $0x0;
	s25 =	simm.s32 $0x18  }
.LBB2_6:
0x77: {  	p1 =	seq.s32 s24, $0x0  }
0x78: {  	s26 =	simm.s32 @!p1 $0x7  }
0x79: {  	_ =	swait.ge @!p1 [sflag:s26], $0x4000  }
0x7a: {  	[sflag:s26] =	ssyncset.done @!p1 $0x0  }
0x7b: {  	[sflag:s26] =	ssyncadd.s32 @!p1 $0xFFFFC000  }
0x7c: {  	v3 =	vld.msk [tilespmem:s25+$0xFFFFFFF8], $0xff;
	_ =	sdelay $0x4  }
0x7d: {  	v4 =	vshll.u32 v3, $0x4  }
0x7e: {  	v3 =	vand.u32 $0x7, v3;
	v4 =	vand.u32 $0xFFFFFF80, v4  }
0x7f: {  	v3 =	vor.u32 v3, v4  }
0x80: {  	v3 =	vperm.xlane v3, v1;
	_ =	sdelay $0x1  }
0x81: {  	v3 =	vadd.s32 v2, v3;
	_ =	sdelay $0x4  }
0x82: {  	[tilespmem:s14], [sflag:$0x3] =	stream.indirect_vreg.gather [hbm4b:s0+s3], $0x80, v3, vm0, $0xb8;
	[tilespmem:$0x10400] =	vst v63  }
0x83: {  	s29 =	rddreg [dreg:$0xc]  }
0x84: {  	[tilespmem:s29], [sflag:$0x3] =	stream.indirect_vreg.gather [hbm4b:s5+s3], $0x80, v3, vm0, $0xb8;
	[tilespmem:$0x10400] =	vst v63  }
0x85: {  	s28 =	rddreg [dreg:$0xd]  }
0x86: {  	[tilespmem:s28], [sflag:$0x3] =	stream.indirect_vreg.gather [hbm4b:s6+s3], $0x80, v3, vm0, $0xb8;
	[tilespmem:$0x10400] =	vst v63  }
0x87: {  	s2 =	rddreg [dreg:$0xe]  }
0x88: {  	[tilespmem:s2], [sflag:$0x3] =	stream.indirect_vreg.gather [hbm4b:s7+s3], $0x80, v3, vm0, $0xb8;
	[tilespmem:$0x10400] =	vst v63  }
0x89: {  	s19 =	rddreg [dreg:$0xf]  }
0x8a: {  	[tilespmem:s19], [sflag:$0x3] =	stream.indirect_vreg.gather [hbm4b:s8+s3], $0x80, v3, vm0, $0xb8;
	[tilespmem:$0x10400] =	vst v63  }
0x8b: {  	s29 =	rddreg [dreg:$0x10]  }
0x8c: {  	[tilespmem:s29], [sflag:$0x3] =	stream.indirect_vreg.gather [hbm4b:s9+s3], $0x80, v3, vm0, $0xb8;
	[tilespmem:$0x10400] =	vst v63  }
0x8d: {  	s2 =	rddreg [dreg:$0x11]  }
0x8e: {  	[tilespmem:s2], [sflag:$0x3] =	stream.indirect_vreg.gather [hbm4b:s10+s3], $0x80, v3, vm0, $0xb8;
	[tilespmem:$0x10400] =	vst v63  }
0x8f: {  	s19 =	rddreg [dreg:$0x12]  }
0x90: {  	[tilespmem:s19], [sflag:$0x3] =	stream.indirect_vreg.gather [hbm4b:s11+s3], $0x80, v3, vm0, $0xb8;
	[tilespmem:$0x10400] =	vst v63  }
0x91: {  	_ =	swait.ge [sflag:s15], $0x4000  }
0x92: {  	s28 =	rddreg [dreg:$0x9];
	[sflag:s15] =	ssyncset.done $0x0  }
0x93: {  	[sflag:s15] =	ssyncadd.s32 $0xFFFFC000;
	s26 =	sadd.s32 s24, s28  }
0x94: {  	[hbm4b:s26+s3] =	stream.linear.scatter [tilespmem:s20], [sflag:$0x5], $0x4000, $0x38;
	[tilespmem:$0x10400] =	vst v63  }
0x95: {  	s26 =	simm.s32 @!p1 $0x8  }
0x96: {  	_ =	swait.ge @!p1 [sflag:s26], $0x4000  }
0x97: {  	[sflag:s26] =	ssyncset.done @!p1 $0x0  }
0x98: {  	[sflag:s26] =	ssyncadd.s32 @!p1 $0xFFFFC000  }
0x99: {  	v3 =	vld.msk [tilespmem:s25+$0x0], $0xff;
	_ =	sdelay $0x4  }
0x9a: {  	v63 =	vshll.u32 v3, $0x4  }
0x9b: {  	v3 =	vand.u32 $0x7, v3;
	v4 =	vand.u32 $0xFFFFFF80, v63  }
0x9c: {  	v3 =	vor.u32 v3, v4  }
0x9d: {  	v3 =	vperm.xlane v3, v1;
	_ =	sdelay $0x1  }
0x9e: {  	v3 =	vadd.s32 v2, v3;
	_ =	sdelay $0x4  }
0x9f: {  	[tilespmem:s31], [sflag:$0x4] =	stream.indirect_vreg.gather [hbm4b:s0+s3], $0x80, v3, vm0, $0xb8;
	[tilespmem:$0x10400] =	vst v63  }
0xa0: {  	s29 =	rddreg [dreg:$0x13]  }
0xa1: {  	[tilespmem:s29], [sflag:$0x4] =	stream.indirect_vreg.gather [hbm4b:s5+s3], $0x80, v3, vm0, $0xb8;
	[tilespmem:$0x10400] =	vst v63  }
0xa2: {  	s2 =	rddreg [dreg:$0x14]  }
0xa3: {  	[tilespmem:s2], [sflag:$0x4] =	stream.indirect_vreg.gather [hbm4b:s6+s3], $0x80, v3, vm0, $0xb8;
	[tilespmem:$0x10400] =	vst v63  }
0xa4: {  	s19 =	rddreg [dreg:$0x15]  }
0xa5: {  	[tilespmem:s19], [sflag:$0x4] =	stream.indirect_vreg.gather [hbm4b:s7+s3], $0x80, v3, vm0, $0xb8;
	[tilespmem:$0x10400] =	vst v63  }
0xa6: {  	s29 =	rddreg [dreg:$0x16]  }
0xa7: {  	[tilespmem:s29], [sflag:$0x4] =	stream.indirect_vreg.gather [hbm4b:s8+s3], $0x80, v3, vm0, $0xb8;
	[tilespmem:$0x10400] =	vst v63  }
0xa8: {  	s2 =	rddreg [dreg:$0x17]  }
0xa9: {  	[tilespmem:s2], [sflag:$0x4] =	stream.indirect_vreg.gather [hbm4b:s9+s3], $0x80, v3, vm0, $0xb8;
	[tilespmem:$0x10400] =	vst v63  }
0xaa: {  	s19 =	rddreg [dreg:$0x18]  }
0xab: {  	[tilespmem:s19], [sflag:$0x4] =	stream.indirect_vreg.gather [hbm4b:s10+s3], $0x80, v3, vm0, $0xb8;
	[tilespmem:$0x10400] =	vst v63  }
0xac: {  	s29 =	rddreg [dreg:$0x19]  }
0xad: {  	[tilespmem:s29], [sflag:$0x4] =	stream.indirect_vreg.gather [hbm4b:s11+s3], $0x80, v3, vm0, $0xb8;
	[tilespmem:$0x10400] =	vst v63  }
0xae: {  	_ =	swait.ge [sflag:s1], $0x4000  }
0xaf: {  	s2 =	rddreg [dreg:$0x8];
	[sflag:s1] =	ssyncset.done $0x0  }
0xb0: {  	p1 =	seq.s32 s24, $0x1E000;
	[sflag:s1] =	ssyncadd.s32 $0xFFFFC000;
	s26 =	sadd.s32 s24, s2  }
0xb1: {  	[hbm4b:s26+s3] =	stream.linear.scatter [tilespmem:s30], [sflag:$0x6], $0x4000, $0x38;
	[tilespmem:$0x10400] =	vst v63  }
0xb2: {  	s26 =	simm.s32 @!p1 $0x5  }
0xb3: {  	_ =	swait.ge @!p1 [sflag:s26], $0x4000  }
0xb4: {  	[sflag:s26] =	ssyncset.done @!p1 $0x0  }
0xb5: {  	[sflag:s26] =	ssyncadd.s32 @!p1 $0xFFFFC000  }
0xb6: {  	v3 =	vld.msk @!p1 [tilespmem:s25+$0x8], $0xff;
	_ =	sdelay $0x4  }
0xb7: {  	v4 =	vshll.u32 @!p1 v3, $0x4  }
0xb8: {  	v5 =	vlaneseq.u32 @!p1;
	v3 =	vand.u32 @!p1 $0x7, v3;
	v4 =	vand.u32 @!p1 $0xFFFFFF80, v4  }
0xb9: {  	v3 =	vor.u32 @!p1 v3, v4;
	v4 =	vand.u32 @!p1 $0x7, v5;
	v5 =	vshrl.u32 @!p1 v5, $0x3  }
0xba: {  	v3 =	vperm.xlane @!p1 v3, v4;
	v5 =	vmul.u32 @!p1 $0x8, v5;
	_ =	sdelay $0x1  }
0xbb: {  	v3 =	vadd.s32 @!p1 v5, v3;
	_ =	sdelay $0x3  }
0xbc: {  	vm1 =	vmmov @!p1 $0xffff;
	s28 =	simm.s32 @!p1 $0x200;
	s26 =	simm.s32 @!p1 $0x0  }
0xbd: {  	[tilespmem:s28], [sflag:$0x1] =	stream.indirect_vreg.gather @!p1 [hbm4b:s0+s26], $0x80, v3, vm1, $0xb8;
	[tilespmem:$0x10400] =	vst v63  }
0xbe: {  	s28 =	simm.s32 @!p1 $0xA00  }
0xbf: {  	[tilespmem:s28], [sflag:$0x1] =	stream.indirect_vreg.gather @!p1 [hbm4b:s5+s26], $0x80, v3, vm1, $0xb8;
	[tilespmem:$0x10400] =	vst v63  }
0xc0: {  	s28 =	simm.s32 @!p1 $0x1200  }
0xc1: {  	[tilespmem:s28], [sflag:$0x1] =	stream.indirect_vreg.gather @!p1 [hbm4b:s6+s26], $0x80, v3, vm1, $0xb8;
	[tilespmem:$0x10400] =	vst v63  }
0xc2: {  	s28 =	simm.s32 @!p1 $0x1A00  }
0xc3: {  	[tilespmem:s28], [sflag:$0x1] =	stream.indirect_vreg.gather @!p1 [hbm4b:s7+s26], $0x80, v3, vm1, $0xb8;
	[tilespmem:$0x10400] =	vst v63  }
0xc4: {  	s28 =	simm.s32 @!p1 $0x2200  }
0xc5: {  	[tilespmem:s28], [sflag:$0x1] =	stream.indirect_vreg.gather @!p1 [hbm4b:s8+s26], $0x80, v3, vm1, $0xb8;
	[tilespmem:$0x10400] =	vst v63  }
0xc6: {  	s28 =	simm.s32 @!p1 $0x2A00  }
0xc7: {  	[tilespmem:s28], [sflag:$0x1] =	stream.indirect_vreg.gather @!p1 [hbm4b:s9+s26], $0x80, v3, vm1, $0xb8;
	[tilespmem:$0x10400] =	vst v63  }
0xc8: {  	s28 =	simm.s32 @!p1 $0x3200  }
0xc9: {  	[tilespmem:s28], [sflag:$0x1] =	stream.indirect_vreg.gather @!p1 [hbm4b:s10+s26], $0x80, v3, vm1, $0xb8;
	[tilespmem:$0x10400] =	vst v63  }
0xca: {  	s28 =	simm.s32 @!p1 $0x3A00  }
0xcb: {  	[tilespmem:s28], [sflag:$0x1] =	stream.indirect_vreg.gather @!p1 [hbm4b:s11+s26], $0x80, v3, vm1, $0xb8;
	[tilespmem:$0x10400] =	vst v63  }
0xcc: {  	_ =	swait.ge [sflag:s18], $0x4000  }
0xcd: {  	s19 =	rddreg [dreg:$0xb];
	[sflag:s18] =	ssyncset.done $0x0  }
0xce: {  	[sflag:s18] =	ssyncadd.s32 $0xFFFFC000;
	s28 =	sadd.s32 s24, s19  }
0xcf: {  	[hbm4b:s28+s3] =	stream.linear.scatter [tilespmem:s14], [sflag:$0x7], $0x4000, $0x38;
	[tilespmem:$0x10400] =	vst v63  }
0xd0: {  	s28 =	simm.s32 @!p1 $0x6  }
0xd1: {  	_ =	swait.ge @!p1 [sflag:s28], $0x4000  }
0xd2: {  	[sflag:s28] =	ssyncset.done @!p1 $0x0  }
0xd3: {  	[sflag:s28] =	ssyncadd.s32 @!p1 $0xFFFFC000  }
0xd4: {  	v3 =	vld.msk @!p1 [tilespmem:s25+$0x10], $0xff;
	_ =	sdelay $0x4  }
0xd5: {  	v6 =	vshll.u32 @!p1 v3, $0x4  }
0xd6: {  	v3 =	vand.u32 @!p1 $0x7, v3;
	v6 =	vand.u32 @!p1 $0xFFFFFF80, v6  }
0xd7: {  	v3 =	vor.u32 @!p1 v3, v6  }
0xd8: {  	v3 =	vperm.xlane @!p1 v3, v4;
	_ =	sdelay $0x1  }
0xd9: {  	v3 =	vadd.s32 @!p1 v5, v3;
	_ =	sdelay $0x3  }
0xda: {  	s28 =	simm.s32 @!p1 $0x4200  }
0xdb: {  	[tilespmem:s28], [sflag:$0x2] =	stream.indirect_vreg.gather @!p1 [hbm4b:s0+s26], $0x80, v3, vm1, $0xb8;
	[tilespmem:$0x10400] =	vst v63  }
0xdc: {  	s28 =	simm.s32 @!p1 $0x4A00  }
0xdd: {  	[tilespmem:s28], [sflag:$0x2] =	stream.indirect_vreg.gather @!p1 [hbm4b:s5+s26], $0x80, v3, vm1, $0xb8;
	[tilespmem:$0x10400] =	vst v63  }
0xde: {  	s28 =	simm.s32 @!p1 $0x5200  }
0xdf: {  	[tilespmem:s28], [sflag:$0x2] =	stream.indirect_vreg.gather @!p1 [hbm4b:s6+s26], $0x80, v3, vm1, $0xb8;
	[tilespmem:$0x10400] =	vst v63  }
0xe0: {  	s28 =	simm.s32 @!p1 $0x5A00  }
0xe1: {  	[tilespmem:s28], [sflag:$0x2] =	stream.indirect_vreg.gather @!p1 [hbm4b:s7+s26], $0x80, v3, vm1, $0xb8;
	[tilespmem:$0x10400] =	vst v63  }
0xe2: {  	s28 =	simm.s32 @!p1 $0x6200  }
0xe3: {  	[tilespmem:s28], [sflag:$0x2] =	stream.indirect_vreg.gather @!p1 [hbm4b:s8+s26], $0x80, v3, vm1, $0xb8;
	[tilespmem:$0x10400] =	vst v63  }
0xe4: {  	s28 =	simm.s32 @!p1 $0x6A00  }
0xe5: {  	[tilespmem:s28], [sflag:$0x2] =	stream.indirect_vreg.gather @!p1 [hbm4b:s9+s26], $0x80, v3, vm1, $0xb8;
	[tilespmem:$0x10400] =	vst v63  }
0xe6: {  	s28 =	simm.s32 @!p1 $0x7200  }
0xe7: {  	[tilespmem:s28], [sflag:$0x2] =	stream.indirect_vreg.gather @!p1 [hbm4b:s10+s26], $0x80, v3, vm1, $0xb8;
	[tilespmem:$0x10400] =	vst v63  }
0xe8: {  	s28 =	simm.s32 @!p1 $0x7A00  }
0xe9: {  	[tilespmem:s28], [sflag:$0x2] =	stream.indirect_vreg.gather @!p1 [hbm4b:s11+s26], $0x80, v3, vm1, $0xb8;
	[tilespmem:$0x10400] =	vst v63  }
0xea: {  	_ =	swait.ge [sflag:s4], $0x4000  }
0xeb: {  	s29 =	rddreg [dreg:$0xa]  }
0xec: {  	s26 =	sadd.s32 s24, s29;
	s24 =	sadd.s32 $0x2000, s24  }
0xed: {  	p1 =	sne.s32 s24, $0x20000  }
.Ltmp2:
0xee: {  	_ = 	snop;
	(pc) =	sbr.rel @p1 .LBB2_6-.Ltmp2, $4  }
0xef: {  	_ = 	snop  }
0xf0: {  	[sflag:s4] =	ssyncset.done $0x0  }
0xf1: {  	s25 =	sadd.s32 $0x20, s25;
	[sflag:s4] =	ssyncadd.s32 $0xFFFFC000  }
0xf2: {  	[hbm4b:s26+s3] =	stream.linear.scatter [tilespmem:s31], [sflag:$0x8], $0x4000, $0x38;
	[tilespmem:$0x10400] =	vst v63  }
0xf3: {  	s2 =	simm.s32 $0x5  }
0xf4: {  	_ =	swait.ge [sflag:s2], $0x4000  }
0xf5: {  	[sflag:s2] =	ssyncset.done $0x0  }
0xf6: {  	[sflag:s2] =	ssyncadd.s32 $0xFFFFC000  }
0xf7: {  	_ =	swait.ge [sflag:s13], $0x4000  }
0xf8: {  	[sflag:s13] =	ssyncset.done $0x0  }
0xf9: {  	[sflag:s13] =	ssyncadd.s32 $0xFFFFC000  }
0xfa: {  	_ =	swait.ge [sflag:s17], $0x4000  }
0xfb: {  	[sflag:s17] =	ssyncset.done $0x0  }
0xfc: {  	[sflag:s17] =	ssyncadd.s32 $0xFFFFC000  }
0xfd: {  	_ =	swait.ge [sflag:s22], $0x4000  }
0xfe: {  	[sflag:s22] =	ssyncset.done $0x0  }
0xff: {  	[sflag:s22] =	ssyncadd.s32 $0xFFFFC000  }
0x100: {  	[tilespmem:s20], [sflag:$0x9] =	stream.linear.gather [hbm4b:s16+s3], $0x80, $0x38;
	[tilespmem:$0x10400] =	vst v63  }
0x101: {  	s24 =	sadd.s32 $0x80, s16;
	s26 =	simm.s32 $0x600  }
0x102: {  	[tilespmem:s26], [sflag:$0x9] =	stream.linear.gather [hbm4b:s24+s3], $0x80, $0x38;
	[tilespmem:$0x10400] =	vst v63  }
0x103: {  	s25 =	simm.s32 $0xA00;
	s2 =	sadd.s32 $0x100, s16  }
0x104: {  	[tilespmem:s25], [sflag:$0x9] =	stream.linear.gather [hbm4b:s2+s3], $0x80, $0x38;
	[tilespmem:$0x10400] =	vst v63  }
0x105: {  	s19 =	sadd.s32 $0x180, s16;
	s26 =	simm.s32 $0xE00  }
0x106: {  	[tilespmem:s26], [sflag:$0x9] =	stream.linear.gather [hbm4b:s19+s3], $0x80, $0x38;
	[tilespmem:$0x10400] =	vst v63  }
0x107: {  	s19 =	sadd.s32 $0x200, s16;
	s26 =	simm.s32 $0x1200  }
0x108: {  	[tilespmem:s26], [sflag:$0x9] =	stream.linear.gather [hbm4b:s19+s3], $0x80, $0x38;
	[tilespmem:$0x10400] =	vst v63  }
0x109: {  	s2 =	sadd.s32 $0x280, s16;
	s19 =	simm.s32 $0x1600  }
0x10a: {  	[tilespmem:s19], [sflag:$0x9] =	stream.linear.gather [hbm4b:s2+s3], $0x80, $0x38;
	[tilespmem:$0x10400] =	vst v63  }
0x10b: {  	s28 =	simm.s32 $0x1A00;
	s19 =	sadd.s32 $0x300, s16  }
0x10c: {  	[tilespmem:s28], [sflag:$0x9] =	stream.linear.gather [hbm4b:s19+s3], $0x80, $0x38;
	[tilespmem:$0x10400] =	vst v63  }
0x10d: {  	s2 =	sadd.s32 $0x380, s16;
	s19 =	simm.s32 $0x1E00  }
0x10e: {  	[tilespmem:s19], [sflag:$0x9] =	stream.linear.gather [hbm4b:s2+s3], $0x80, $0x38;
	[tilespmem:$0x10400] =	vst v63  }
0x10f: {  	s29 =	simm.s32 $0x2200;
	s19 =	sadd.s32 $0x400, s16  }
0x110: {  	[tilespmem:s29], [sflag:$0x9] =	stream.linear.gather [hbm4b:s19+s3], $0x80, $0x38;
	[tilespmem:$0x10400] =	vst v63  }
0x111: {  	s2 =	sadd.s32 $0x480, s16;
	s19 =	simm.s32 $0x2600  }
0x112: {  	[tilespmem:s19], [sflag:$0x9] =	stream.linear.gather [hbm4b:s2+s3], $0x80, $0x38;
	[tilespmem:$0x10400] =	vst v63  }
0x113: {  	s2 =	sadd.s32 $0x500, s16;
	s19 =	simm.s32 $0x2A00  }
0x114: {  	[tilespmem:s19], [sflag:$0x9] =	stream.linear.gather [hbm4b:s2+s3], $0x80, $0x38;
	[tilespmem:$0x10400] =	vst v63  }
0x115: {  	s24 =	sadd.s32 $0x580, s16;
	s2 =	simm.s32 $0x2E00  }
0x116: {  	[tilespmem:s2], [sflag:$0x9] =	stream.linear.gather [hbm4b:s24+s3], $0x80, $0x38;
	[tilespmem:$0x10400] =	vst v63  }
0x117: {  	s24 =	sadd.s32 $0x600, s16;
	s2 =	simm.s32 $0x3200  }
0x118: {  	[tilespmem:s2], [sflag:$0x9] =	stream.linear.gather [hbm4b:s24+s3], $0x80, $0x38;
	[tilespmem:$0x10400] =	vst v63  }
0x119: {  	s24 =	sadd.s32 $0x680, s16;
	s2 =	simm.s32 $0x3600  }
0x11a: {  	[tilespmem:s2], [sflag:$0x9] =	stream.linear.gather [hbm4b:s24+s3], $0x80, $0x38;
	[tilespmem:$0x10400] =	vst v63  }
0x11b: {  	s2 =	sadd.s32 $0x700, s16  }
0x11c: {  	[tilespmem:s12], [sflag:$0x9] =	stream.linear.gather [hbm4b:s2+s3], $0x80, $0x38;
	[tilespmem:$0x10400] =	vst v63  }
0x11d: {  	s2 =	sadd.s32 $0x780, s16;
	s12 =	simm.s32 $0x3E00  }
0x11e: {  	[tilespmem:s12], [sflag:$0x9] =	stream.linear.gather [hbm4b:s2+s3], $0x80, $0x38;
	[tilespmem:$0x10400] =	vst v63  }
0x11f: {  	_ =	swait.ge [sflag:s21], $0x800  }
0x120: {  	s23 =	sadd.s32 $0x1, s23;
	s12 =	rddreg [dreg:$0x1f]  }
0x121: {  	p1 =	sne.s32 s23, s12  }
.Ltmp3:
0x122: {  	_ = 	snop;
	(pc) =	sbr.rel @p1 .LBB2_1-.Ltmp3, $3  }
0x123: {  	_ =	sdelay $0x1  }
0x124: {  	[sflag:s21] =	ssyncset.done $0x0  }
0x125: {  	[sflag:s21] =	ssyncadd.s32 $0xFFFFF800  }
0x126: {  	_ =	sfence.sel $0x180000  }
0x127: {  	[bflag:$0x0] =	sbarrier.arrive $0xFFFF  }
0x128: {  	_ =	strace $0x90000047  }
0x129: {  	s0 =	stileid.u32;
	[bflag:$0x2] =	sbarrier.arrive $0xFFFF  }
0x12a: {  	p0 =	sne.s32 s0, $0x0;
	s0 =	rddreg [dreg:$0x7]  }
0x12b: {  	s0 =	sadd.s32 @!p0 $0x100000, s0  }
0x12c: {  	[sflag:s0] =	ssyncadd.tile.s32 @!p0 $0x1;
	_ =	shalt  }
.Lfunc_end2:
_tile_overlayer_lowered:
.L_overlay_start_2:
0x12d: {  	(tag) =	ssettag $0x2  }
0x12e: {  	s0 =	rddreg [dreg:$0x0];
	s2 =	stileid.u32  }
0x12f: {  	s1 =	rddreg [dreg:$0x1];
	p0 =	sne.s32 s2, $0x0  }
0x130: {  	s3 =	rddreg [dreg:$0x2];
	[bflag:$0x3] =	sbarrier.arrive $0xFFFF;
	s2 =	simm.s32 @!p0 $0x1C09  }
0x131: {  	[timem:s3], [sflag:s2] =	dma.local @!p0 [hbm:s0], s1  }
0x132: {  	s0 =	simm.s32 @!p0 $0x9  }
0x133: {  	_ =	swait.ge @!p0 [sflag:s0], s1  }
0x134: {  	s1 =	ssub.s32 @!p0 $0x0, s1;
	[sflag:s0] =	ssyncset.done @!p0 $0x0  }
0x135: {  	[sflag:s0] =	ssyncadd.s32 @!p0 s1  }
0x136: {  	[bflag:$0x3] =	sbarrier.arrive $0xFFFF  }
0x137: {  	_ =	shalt  }

</sc_bundles>
